<compile_context>
chip_gen: v7x
topology: tpu7x:2x2x1
jax: 0.10.2.dev20260603
libtpu: 0.0.44.dev20260713+nightly
codegen_flags: <defaults>
</compile_context>

<pallas_src>
import functools

import jax
import jax.numpy as jnp
from jax import lax
from jax.experimental import pallas as pl
from jax.experimental.pallas import tpu as pltpu
from jax.experimental.pallas import tpu_sc as plsc

_B = 16384
_V = 1000000
_D = 128
_H = 64
_C = 2
_T = 819200

_NW = 32
_BW = _B // _NW
_K = 128
_NBUF = 3


def _bag_sums_sc(tags, offsets, table):
    mesh = plsc.VectorSubcoreMesh(core_axis_name="c", subcore_axis_name="s")

    @functools.partial(
        pl.kernel,
        mesh=mesh,
        out_type=jax.ShapeDtypeStruct((_B, _D), jnp.float32),
        compiler_params=pltpu.CompilerParams(needs_layout_passes=False),
        scratch_types=[
            pltpu.VMEM((_BW + 16,), jnp.int32),
            [pltpu.VMEM((_K,), jnp.int32) for _ in range(_NBUF)],
            [pltpu.VMEM((_K, _D), jnp.float32) for _ in range(_NBUF)],
            [pltpu.VMEM((_K,), jnp.int32) for _ in range(_NBUF)],
            pltpu.VMEM_SHARED((16 * (_BW + 1), _D), jnp.float32),
            [pltpu.SemaphoreType.DMA for _ in range(_NBUF)],
            [pltpu.SemaphoreType.DMA for _ in range(_NBUF)],
            [pltpu.SemaphoreType.DMA for _ in range(_NBUF)],
            pltpu.SemaphoreType.DMA,
        ],
    )
    def k(tags_hbm, offs_hbm, table_hbm, out_hbm, offs_v, idxs, rowss, segs,
          shared, gsems, ssems, isems, sem_z):
        sid = lax.axis_index("s")
        w = sid * 2 + lax.axis_index("c")
        base = w * _BW
        sbase = sid * (_BW + 1)

        pltpu.sync_copy(offs_hbm.at[pl.ds(base, _BW)], offs_v.at[pl.ds(0, _BW)])

        @pl.when(w < _NW - 1)
        def _():
            pltpu.sync_copy(offs_hbm.at[pl.ds(base + _BW, 16)],
                            offs_v.at[pl.ds(_BW, 16)])

        s0 = offs_v[pl.ds(0, 16)][0]
        e = jnp.where(w == _NW - 1, _T, offs_v[pl.ds(_BW, 16)][0])
        s_al = (s0 // 8) * 8
        nchunks = (e - s_al + _K - 1) // _K
        lane = lax.iota(jnp.int32, 16)

        def tag_slice(ci):
            p = s_al + ci * _K
            return jnp.minimum(p, _T - _K)

        def start_idx(ci, b):
            @pl.when(ci < nchunks)
            def _():
                pltpu.async_copy(tags_hbm.at[pl.ds(tag_slice(ci), _K)],
                                 idxs[b], isems[b])

        def start_gather(ci, b):
            @pl.when(ci < nchunks)
            def _():
                pltpu.make_async_copy(tags_hbm.at[pl.ds(tag_slice(ci), _K)],
                                      idxs[b], isems[b]).wait()
                pltpu.async_copy(table_hbm.at[idxs[b]], rowss[b], gsems[b])

        def wait_scatter(b):
            pltpu.make_async_copy(rowss[b], shared.at[segs[b]],
                                  ssems[b]).wait()

        def slot(ci, b):
            @pl.when(ci < nchunks)
            def _():
                pltpu.make_async_copy(table_hbm.at[idxs[b]], rowss[b],
                                      gsems[b]).wait()
                start_idx(ci + _NBUF, b)
                p = s_al + ci * _K
                p2 = jnp.minimum(p, _T - _K)
                lo = jnp.maximum(p, s0)

                def group(g, carry):
                    tb = p2 + g * 16
                    tvec = tb + lane
                    pos = jnp.zeros((16,), jnp.int32)
                    step = _BW // 2
                    while step >= 1:
                        mid = jnp.minimum(pos + step, _BW - 1)
                        ov = plsc.load_gather(offs_v, [mid])
                        pos = jnp.where(ov <= tvec, mid, pos)
                        step //= 2
                    valid = (tvec >= lo) & (tvec < e)
                    segs[b][pl.ds(g * 16, 16)] = (
                        jnp.where(valid, pos, _BW) + sbase)
                    return carry

                lax.fori_loop(0, _K // 16, group, 0)
                pltpu.async_copy(rowss[b], shared.at[segs[b]], ssems[b],
                                 add=True)

                @pl.when(ci >= 1)
                def _():
                    wait_scatter((b + _NBUF - 1) % _NBUF)

                start_gather(ci + 2, (b + 2) % _NBUF)

        for b in range(_NBUF):
            start_idx(b, b)
        start_gather(0, 0)
        start_gather(1, 1)

        zero = jnp.zeros((16,), jnp.float32)

        def zbody(r, carry):
            for l in range(_D // 16):
                rowss[2][r, pl.ds(l * 16, 16)] = zero
            return carry

        lax.fori_loop(0, _K, zbody, 0)
        for j in range(_BW // _K):
            pltpu.async_copy(rowss[2], shared.at[pl.ds(sbase + j * _K, _K)],
                             sem_z).wait()
        pltpu.async_copy(rowss[2].at[pl.ds(0, 1)],
                         shared.at[pl.ds(sbase + _BW, 1)], sem_z).wait()

        ntriples = (nchunks + _NBUF - 1) // _NBUF

        def triple(pi, carry):
            for b in range(_NBUF):
                slot(_NBUF * pi + b, b)
            return carry

        lax.fori_loop(0, ntriples, triple, 0)
        for b in range(_NBUF):
            @pl.when((nchunks >= 1) & ((nchunks - 1) % _NBUF == b))
            def _():
                wait_scatter(b)

        pltpu.sync_copy(shared.at[pl.ds(sbase, _BW)],
                        out_hbm.at[pl.ds(base, _BW)])

    return k(tags, offsets, table)


def _head_tc(sums, offs_cur, offs_next, emos, w_a, w_b, b_hid, w_out, b_out):
    rb = 4096
    grid = (_B // rb,)

    def body(sums_ref, oc_ref, on_ref, emos_ref, wa_ref, wb_ref, bh_ref,
             wo_ref, bo_ref, out_ref):
        cnt = (on_ref[...] - oc_ref[...]).astype(jnp.float32)
        mean = sums_ref[...] * (1.0 / jnp.maximum(cnt, 1.0))
        tf = jnp.maximum(mean, 0.0)
        ew = emos_ref[...]
        hb = jnp.dot(tf, wa_ref[...], preferred_element_type=jnp.float32)
        hb = hb + ew[:, 0:1] * wb_ref[0:1, :] + ew[:, 1:2] * wb_ref[1:2, :]
        h = jnp.maximum(hb + bh_ref[...], 0.0)
        out_ref[...] = jnp.dot(h, wo_ref[...],
                               preferred_element_type=jnp.float32) + bo_ref[...]

    full = lambda shape: pl.BlockSpec(shape, lambda i: (0, 0))
    return pl.pallas_call(
        body,
        grid=grid,
        in_specs=[
            pl.BlockSpec((rb, _D), lambda i: (i, 0)),
            pl.BlockSpec((rb, 1), lambda i: (i, 0)),
            pl.BlockSpec((rb, 1), lambda i: (i, 0)),
            pl.BlockSpec((rb, _C), lambda i: (i, 0)),
            full((_D, _H)),
            full((2, _H)),
            full((1, _H)),
            full((_H, _C)),
            full((1, _C)),
        ],
        out_specs=pl.BlockSpec((rb, _C), lambda i: (i, 0)),
        out_shape=jax.ShapeDtypeStruct((_B, _C), jnp.float32),
    )(sums, offs_cur, offs_next, emos, w_a, w_b, b_hid, w_out, b_out)


def kernel(emos, tags_vec, offsets, table, W_hid, b_hid, W_out, b_out):
    tags_i = tags_vec.astype(jnp.int32)
    offs_i = offsets.astype(jnp.int32)
    sums = _bag_sums_sc(tags_i, offs_i, table)
    offs_next = jnp.concatenate(
        [offs_i[1:], jnp.full((1,), _T, jnp.int32)]).reshape(_B, 1)
    return _head_tc(
        sums,
        offs_i.reshape(_B, 1),
        offs_next,
        emos,
        W_hid[:_D],
        W_hid[_D:],
        b_hid.reshape(1, _H),
        W_out,
        b_out.reshape(1, _C),
    )

# --- scband reference (transcript-rebuilt; emitter-appended) ---
"""Pipeline reference for scband-pldclassifier-64596308132403 (READ-ONLY COPY).

The authoritative reference and input builder live on the scoring server;
editing this copy changes nothing except your own understanding.
"""

import jax, jax.numpy as jnp
import numpy as np

B = 16384
V = 1000000
D = 128
H = 64
C = 2
T = 819200


def setup_inputs(seed: int = 0) -> dict:
    key = jax.random.key(seed)
    ks = jax.random.split(key, 8)
    emos = jax.random.normal(ks[0], (B, 2), dtype=jnp.float32)
    tags_vec = jax.random.randint(ks[1], (T,), 0, V, dtype=jnp.int64) if jax.config.jax_enable_x64 else jax.random.randint(ks[1], (T,), 0, V, dtype=jnp.int32)
    offsets = jnp.sort(jax.random.randint(ks[2], (B,), 0, T, dtype=tags_vec.dtype))
    offsets = offsets.at[0].set(0)
    table = jax.random.normal(ks[3], (V, D), dtype=jnp.float32) * 0.02
    W_hid = jax.random.normal(ks[4], (D + 2, H), dtype=jnp.float32) * 0.05
    b_hid = jnp.zeros((H,), dtype=jnp.float32)
    W_out = jax.random.normal(ks[5], (H, C), dtype=jnp.float32) * 0.05
    b_out = jnp.zeros((C,), dtype=jnp.float32)
    return {"emos": emos, "tags_vec": tags_vec, "offsets": offsets, "table": table,
            "W_hid": W_hid, "b_hid": b_hid, "W_out": W_out, "b_out": b_out}


def reference(emos, tags_vec, offsets, table, W_hid, b_hid, W_out, b_out):
    # EmbeddingBag with default mode='mean':
    # bag i averages table[tags_vec[offsets[i]:offsets[i+1]]] (last bag to end)
    t = tags_vec.shape[0]
    n_bags = offsets.shape[0]
    seg = jnp.searchsorted(offsets, jnp.arange(t), side="right") - 1
    gathered = jnp.take(table, tags_vec, axis=0)
    sums = jax.ops.segment_sum(gathered, seg, num_segments=n_bags)
    counts = jax.ops.segment_sum(jnp.ones((t,), dtype=jnp.float32), seg, num_segments=n_bags)
    bag = jnp.where(counts[:, None] > 0, sums / jnp.maximum(counts, 1.0)[:, None], 0.0)
    tags_feats = jax.nn.relu(bag)
    concat_feats = jnp.concatenate([tags_feats, emos], axis=1)
    hidden = jax.nn.relu(concat_feats @ W_hid + b_hid)
    logits = hidden @ W_out + b_out
    return logits

if __name__ == "__main__":
    import jax
    _d = setup_inputs()
    print(jax.jit(kernel)(*tuple(_d.values())))

</pallas_src>

<mosaic_0001>
#map = affine_map<(d0, d1) -> (0)>
#map1 = affine_map<(d0, d1) -> (0, 0)>
module attributes {stable_mosaic.version = 14 : i64} {
  func.func @k(%arg0: i32, %arg1: i32, %arg2: memref<819200xi32, #tpu.memory_space<hbm>>, %arg3: memref<16384xi32, #tpu.memory_space<hbm>>, %arg4: memref<1000000x128xf32, #tpu.memory_space<hbm>>, %arg5: memref<16384x128xf32, #tpu.memory_space<hbm>>, %arg6: memref<528xi32, #tpu.memory_space<vmem>>, %arg7: memref<128xi32, #tpu.memory_space<vmem>>, %arg8: memref<128xi32, #tpu.memory_space<vmem>>, %arg9: memref<128xi32, #tpu.memory_space<vmem>>, %arg10: memref<128x128xf32, #tpu.memory_space<vmem>>, %arg11: memref<128x128xf32, #tpu.memory_space<vmem>>, %arg12: memref<128x128xf32, #tpu.memory_space<vmem>>, %arg13: memref<128xi32, #tpu.memory_space<vmem>>, %arg14: memref<128xi32, #tpu.memory_space<vmem>>, %arg15: memref<128xi32, #tpu.memory_space<vmem>>, %arg16: memref<8208x128xf32, #tpu.memory_space<vmem_shared>>, %arg17: memref<!tpu.dma_semaphore, #tpu.memory_space<semaphore_mem>>, %arg18: memref<!tpu.dma_semaphore, #tpu.memory_space<semaphore_mem>>, %arg19: memref<!tpu.dma_semaphore, #tpu.memory_space<semaphore_mem>>, %arg20: memref<!tpu.dma_semaphore, #tpu.memory_space<semaphore_mem>>, %arg21: memref<!tpu.dma_semaphore, #tpu.memory_space<semaphore_mem>>, %arg22: memref<!tpu.dma_semaphore, #tpu.memory_space<semaphore_mem>>, %arg23: memref<!tpu.dma_semaphore, #tpu.memory_space<semaphore_mem>>, %arg24: memref<!tpu.dma_semaphore, #tpu.memory_space<semaphore_mem>>, %arg25: memref<!tpu.dma_semaphore, #tpu.memory_space<semaphore_mem>>, %arg26: memref<!tpu.dma_semaphore, #tpu.memory_space<semaphore_mem>>) attributes {dimension_semantics = [#tpu.dimension_semantics<core_parallel>, #tpu.dimension_semantics<subcore_parallel>], iteration_bounds = array<i64: 2, 16>, scalar_prefetch = 0 : i64, scratch_operands = 21 : i64, tpu.core_type = #tpu.core_type<sc_vector_subcore>, window_params = [{transform_indices = #map}, {transform_indices = #map}, {transform_indices = #map1}, {transform_indices = #map1}]} {
    %mul3A = arith.constant 2 : i32
    %mul3A_0 = arith.muli %arg1, %mul3A : i32
    %add3A = arith.addi %mul3A_0, %arg0 : i32
    %mul3A_1 = arith.constant 512 : i32
    %mul3A_2 = arith.muli %add3A, %mul3A_1 : i32
    %mul3A_3 = arith.constant 513 : i32
    %mul3A_4 = arith.muli %arg1, %mul3A_3 : i32
    "tpu.region"() ({
      %run_scoped3A = tpu.sem_alloc : memref<!tpu.dma_semaphore, #tpu.memory_space<semaphore_mem>>
      %dma_start3A_266 = arith.constant 0 : i32
      %dma_start3A_267 = tpu.memref_slice %arg6[%dma_start3A_266] : memref<528xi32, #tpu.memory_space<vmem>> -> memref<512xi32, #tpu.memory_space<vmem>>
      %dma_start3A_268 = tpu.memref_slice %arg3[%mul3A_2] : memref<16384xi32, #tpu.memory_space<hbm>> -> memref<512xi32, #tpu.memory_space<hbm>>
      %dma_start3A_269 = arith.constant 0 : i32
      %dma_start3A_270 = tpu.memref_slice %arg6[%dma_start3A_269] : memref<528xi32, #tpu.memory_space<vmem>> -> memref<512xi32, #tpu.memory_space<vmem>>
      %dma_start3A_271 = tpu.memref_slice %arg3[%mul3A_2] : memref<16384xi32, #tpu.memory_space<hbm>> -> memref<512xi32, #tpu.memory_space<hbm>>
      tpu.enqueue_dma source(%dma_start3A_271 : memref<512xi32, #tpu.memory_space<hbm>>) target(%dma_start3A_270 : memref<512xi32, #tpu.memory_space<vmem>>) target_semaphore(%run_scoped3A : memref<!tpu.dma_semaphore, #tpu.memory_space<semaphore_mem>>)
      %dma_wait3A_272 = arith.constant 0 : i32
      %dma_wait3A_273 = tpu.memref_slice %arg6[%dma_wait3A_272] : memref<528xi32, #tpu.memory_space<vmem>> -> memref<512xi32, #tpu.memory_space<vmem>>
      %dma_wait3A_274 = tpu.memref_slice %arg3[%mul3A_2] : memref<16384xi32, #tpu.memory_space<hbm>> -> memref<512xi32, #tpu.memory_space<hbm>>
      %dma_wait3A_275 = arith.constant 0 : i32
      %dma_wait3A_276 = tpu.memref_slice %arg6[%dma_wait3A_275] : memref<528xi32, #tpu.memory_space<vmem>> -> memref<512xi32, #tpu.memory_space<vmem>>
      %dma_wait3A_277 = tpu.memref_slice %arg3[%mul3A_2] : memref<16384xi32, #tpu.memory_space<hbm>> -> memref<512xi32, #tpu.memory_space<hbm>>
      tpu.wait_dma2 semaphore(%run_scoped3A : memref<!tpu.dma_semaphore, #tpu.memory_space<semaphore_mem>>) src(%dma_wait3A_277 : memref<512xi32, #tpu.memory_space<hbm>>) dst(%dma_wait3A_276 : memref<512xi32, #tpu.memory_space<vmem>>)
      tpu.yield
    }) : () -> ()
    %lt3A = arith.constant 31 : i32
    %lt3A_5 = arith.cmpi slt, %add3A, %lt3A : i32
    %convert_element_type3A = arith.extui %lt3A_5 : i1 to i32
    %cond3A = arith.constant 0 : i32
    %cond3A_6 = arith.cmpi ne, %convert_element_type3A, %cond3A : i32
    scf.if %cond3A_6 {
      %add3A_266 = arith.constant 512 : i32
      %add3A_267 = arith.addi %mul3A_2, %add3A_266 : i32
      "tpu.region"() ({
        %run_scoped3A = tpu.sem_alloc : memref<!tpu.dma_semaphore, #tpu.memory_space<semaphore_mem>>
        %dma_start3A_268 = arith.constant 512 : i32
        %dma_start3A_269 = tpu.memref_slice %arg6[%dma_start3A_268] : memref<528xi32, #tpu.memory_space<vmem>> -> memref<16xi32, #tpu.memory_space<vmem>>
        %dma_start3A_270 = tpu.memref_slice %arg3[%add3A_267] : memref<16384xi32, #tpu.memory_space<hbm>> -> memref<16xi32, #tpu.memory_space<hbm>>
        %dma_start3A_271 = arith.constant 512 : i32
        %dma_start3A_272 = tpu.memref_slice %arg6[%dma_start3A_271] : memref<528xi32, #tpu.memory_space<vmem>> -> memref<16xi32, #tpu.memory_space<vmem>>
        %dma_start3A_273 = tpu.memref_slice %arg3[%add3A_267] : memref<16384xi32, #tpu.memory_space<hbm>> -> memref<16xi32, #tpu.memory_space<hbm>>
        tpu.enqueue_dma source(%dma_start3A_273 : memref<16xi32, #tpu.memory_space<hbm>>) target(%dma_start3A_272 : memref<16xi32, #tpu.memory_space<vmem>>) target_semaphore(%run_scoped3A : memref<!tpu.dma_semaphore, #tpu.memory_space<semaphore_mem>>)
        %dma_wait3A_274 = arith.constant 512 : i32
        %dma_wait3A_275 = tpu.memref_slice %arg6[%dma_wait3A_274] : memref<528xi32, #tpu.memory_space<vmem>> -> memref<16xi32, #tpu.memory_space<vmem>>
        %dma_wait3A_276 = tpu.memref_slice %arg3[%add3A_267] : memref<16384xi32, #tpu.memory_space<hbm>> -> memref<16xi32, #tpu.memory_space<hbm>>
        %dma_wait3A_277 = arith.constant 512 : i32
        %dma_wait3A_278 = tpu.memref_slice %arg6[%dma_wait3A_277] : memref<528xi32, #tpu.memory_space<vmem>> -> memref<16xi32, #tpu.memory_space<vmem>>
        %dma_wait3A_279 = tpu.memref_slice %arg3[%add3A_267] : memref<16384xi32, #tpu.memory_space<hbm>> -> memref<16xi32, #tpu.memory_space<hbm>>
        tpu.wait_dma2 semaphore(%run_scoped3A : memref<!tpu.dma_semaphore, #tpu.memory_space<semaphore_mem>>) src(%dma_wait3A_279 : memref<16xi32, #tpu.memory_space<hbm>>) dst(%dma_wait3A_278 : memref<16xi32, #tpu.memory_space<vmem>>)
        tpu.yield
      }) : () -> ()
    } else {
    }
    %get3A = arith.constant 0 : index
    %get3A_7 = tpu.vector_load %arg6[%get3A] {strides = array<i32>} : memref<528xi32, #tpu.memory_space<vmem>>, vector<16xi32>,
    %slice3A = vector.extract_strided_slice %get3A_7 {offsets = [0], sizes = [1], strides = [1]} : vector<16xi32> to vector<1xi32>
    %squeeze3A = vector.extract %slice3A[0] : i32 from vector<1xi32>
    %eq3A = arith.constant 31 : i32
    %eq3A_8 = arith.cmpi eq, %add3A, %eq3A : i32
    %get3A_9 = arith.constant 512 : index
    %get3A_10 = tpu.vector_load %arg6[%get3A_9] {strides = array<i32>} : memref<528xi32, #tpu.memory_space<vmem>>, vector<16xi32>,
    %slice3A_11 = vector.extract_strided_slice %get3A_10 {offsets = [0], sizes = [1], strides = [1]} : vector<16xi32> to vector<1xi32>
    %squeeze3A_12 = vector.extract %slice3A_11[0] : i32 from vector<1xi32>
    %jit3A = arith.constant 819200 : i32
    %select_n3A = arith.select %eq3A_8, %jit3A, %squeeze3A_12 : i32
    %jit3A_13 = arith.constant 8 : i32
    %div3A = arith.divsi %squeeze3A, %jit3A_13 : i32
    %sign3A = arith.constant 0 : i32
    %sign3A_14 = arith.cmpi sgt, %squeeze3A, %sign3A : i32
    %sign3A_15 = arith.extui %sign3A_14 : i1 to i32
    %sign3A_16 = arith.constant 0 : i32
    %sign3A_17 = arith.cmpi slt, %squeeze3A, %sign3A_16 : i32
    %sign3A_18 = arith.extui %sign3A_17 : i1 to i32
    %sign3A_19 = arith.subi %sign3A_15, %sign3A_18 : i32
    %sign3A_20 = arith.constant 0 : i32
    %sign3A_21 = arith.cmpi sgt, %jit3A_13, %sign3A_20 : i32
    %sign3A_22 = arith.extui %sign3A_21 : i1 to i32
    %sign3A_23 = arith.constant 0 : i32
    %sign3A_24 = arith.cmpi slt, %jit3A_13, %sign3A_23 : i32
    %sign3A_25 = arith.extui %sign3A_24 : i1 to i32
    %sign3A_26 = arith.subi %sign3A_22, %sign3A_25 : i32
    %ne3A = arith.cmpi ne, %sign3A_19, %sign3A_26 : i32
    %rem3A = arith.remsi %squeeze3A, %jit3A_13 : i32
    %ne3A_27 = arith.constant 0 : i32
    %ne3A_28 = arith.cmpi ne, %rem3A, %ne3A_27 : i32
    %and3A = arith.andi %ne3A, %ne3A_28 : i1
    %sub3A = arith.constant 1 : i32
    %sub3A_29 = arith.subi %div3A, %sub3A : i32
    %select_n3A_30 = arith.select %and3A, %sub3A_29, %div3A : i32
    %mul3A_31 = arith.constant 8 : i32
    %mul3A_32 = arith.muli %select_n3A_30, %mul3A_31 : i32
    %sub3A_33 = arith.subi %select_n3A, %mul3A_32 : i32
    %add3A_34 = arith.constant 128 : i32
    %add3A_35 = arith.addi %sub3A_33, %add3A_34 : i32
    %sub3A_36 = arith.constant 1 : i32
    %sub3A_37 = arith.subi %add3A_35, %sub3A_36 : i32
    %jit3A_38 = arith.constant 128 : i32
    %div3A_39 = arith.divsi %sub3A_37, %jit3A_38 : i32
    %sign3A_40 = arith.constant 0 : i32
    %sign3A_41 = arith.cmpi sgt, %sub3A_37, %sign3A_40 : i32
    %sign3A_42 = arith.extui %sign3A_41 : i1 to i32
    %sign3A_43 = arith.constant 0 : i32
    %sign3A_44 = arith.cmpi slt, %sub3A_37, %sign3A_43 : i32
    %sign3A_45 = arith.extui %sign3A_44 : i1 to i32
    %sign3A_46 = arith.subi %sign3A_42, %sign3A_45 : i32
    %sign3A_47 = arith.constant 0 : i32
    %sign3A_48 = arith.cmpi sgt, %jit3A_38, %sign3A_47 : i32
    %sign3A_49 = arith.extui %sign3A_48 : i1 to i32
    %sign3A_50 = arith.constant 0 : i32
    %sign3A_51 = arith.cmpi slt, %jit3A_38, %sign3A_50 : i32
    %sign3A_52 = arith.extui %sign3A_51 : i1 to i32
    %sign3A_53 = arith.subi %sign3A_49, %sign3A_52 : i32
    %ne3A_54 = arith.cmpi ne, %sign3A_46, %sign3A_53 : i32
    %rem3A_55 = arith.remsi %sub3A_37, %jit3A_38 : i32
    %ne3A_56 = arith.constant 0 : i32
    %ne3A_57 = arith.cmpi ne, %rem3A_55, %ne3A_56 : i32
    %and3A_58 = arith.andi %ne3A_54, %ne3A_57 : i1
    %sub3A_59 = arith.constant 1 : i32
    %sub3A_60 = arith.subi %div3A_39, %sub3A_59 : i32
    %select_n3A_61 = arith.select %and3A_58, %sub3A_60, %div3A_39 : i32
    %iota3A = tpu.iota {dimensions = array<i32: 0>} : vector<16xi32>
    %gt3A = arith.constant 0 : i32
    %gt3A_62 = arith.cmpi sgt, %select_n3A_61, %gt3A : i32
    %convert_element_type3A_63 = arith.extui %gt3A_62 : i1 to i32
    %cond3A_64 = arith.constant 0 : i32
    %cond3A_65 = arith.cmpi ne, %convert_element_type3A_63, %cond3A_64 : i32
    scf.if %cond3A_65 {
      %add3A_266 = arith.constant 0 : i32
      %add3A_267 = arith.addi %mul3A_32, %add3A_266 : i32
      %min3A = arith.constant 819072 : i32
      %min3A_268 = arith.minsi %add3A_267, %min3A : i32
      %dma_start3A_269 = tpu.memref_slice %arg2[%min3A_268] : memref<819200xi32, #tpu.memory_space<hbm>> -> memref<128xi32, #tpu.memory_space<hbm>>
      %dma_start3A_270 = tpu.memref_slice %arg2[%min3A_268] : memref<819200xi32, #tpu.memory_space<hbm>> -> memref<128xi32, #tpu.memory_space<hbm>>
      tpu.enqueue_dma source(%dma_start3A_270 : memref<128xi32, #tpu.memory_space<hbm>>) target(%arg7 : memref<128xi32, #tpu.memory_space<vmem>>) target_semaphore(%arg23 : memref<!tpu.dma_semaphore, #tpu.memory_space<semaphore_mem>>)
    } else {
    }
    %gt3A_66 = arith.constant 1 : i32
    %gt3A_67 = arith.cmpi sgt, %select_n3A_61, %gt3A_66 : i32
    %convert_element_type3A_68 = arith.extui %gt3A_67 : i1 to i32
    %cond3A_69 = arith.constant 0 : i32
    %cond3A_70 = arith.cmpi ne, %convert_element_type3A_68, %cond3A_69 : i32
    scf.if %cond3A_70 {
      %add3A_266 = arith.constant 128 : i32
      %add3A_267 = arith.addi %mul3A_32, %add3A_266 : i32
      %min3A = arith.constant 819072 : i32
      %min3A_268 = arith.minsi %add3A_267, %min3A : i32
      %dma_start3A_269 = tpu.memref_slice %arg2[%min3A_268] : memref<819200xi32, #tpu.memory_space<hbm>> -> memref<128xi32, #tpu.memory_space<hbm>>
      %dma_start3A_270 = tpu.memref_slice %arg2[%min3A_268] : memref<819200xi32, #tpu.memory_space<hbm>> -> memref<128xi32, #tpu.memory_space<hbm>>
      tpu.enqueue_dma source(%dma_start3A_270 : memref<128xi32, #tpu.memory_space<hbm>>) target(%arg8 : memref<128xi32, #tpu.memory_space<vmem>>) target_semaphore(%arg24 : memref<!tpu.dma_semaphore, #tpu.memory_space<semaphore_mem>>)
    } else {
    }
    %gt3A_71 = arith.constant 2 : i32
    %gt3A_72 = arith.cmpi sgt, %select_n3A_61, %gt3A_71 : i32
    %convert_element_type3A_73 = arith.extui %gt3A_72 : i1 to i32
    %cond3A_74 = arith.constant 0 : i32
    %cond3A_75 = arith.cmpi ne, %convert_element_type3A_73, %cond3A_74 : i32
    scf.if %cond3A_75 {
      %add3A_266 = arith.constant 256 : i32
      %add3A_267 = arith.addi %mul3A_32, %add3A_266 : i32
      %min3A = arith.constant 819072 : i32
      %min3A_268 = arith.minsi %add3A_267, %min3A : i32
      %dma_start3A_269 = tpu.memref_slice %arg2[%min3A_268] : memref<819200xi32, #tpu.memory_space<hbm>> -> memref<128xi32, #tpu.memory_space<hbm>>
      %dma_start3A_270 = tpu.memref_slice %arg2[%min3A_268] : memref<819200xi32, #tpu.memory_space<hbm>> -> memref<128xi32, #tpu.memory_space<hbm>>
      tpu.enqueue_dma source(%dma_start3A_270 : memref<128xi32, #tpu.memory_space<hbm>>) target(%arg9 : memref<128xi32, #tpu.memory_space<vmem>>) target_semaphore(%arg25 : memref<!tpu.dma_semaphore, #tpu.memory_space<semaphore_mem>>)
    } else {
    }
    %gt3A_76 = arith.constant 0 : i32
    %gt3A_77 = arith.cmpi sgt, %select_n3A_61, %gt3A_76 : i32
    %convert_element_type3A_78 = arith.extui %gt3A_77 : i1 to i32
    %cond3A_79 = arith.constant 0 : i32
    %cond3A_80 = arith.cmpi ne, %convert_element_type3A_78, %cond3A_79 : i32
    scf.if %cond3A_80 {
      %add3A_266 = arith.constant 0 : i32
      %add3A_267 = arith.addi %mul3A_32, %add3A_266 : i32
      %min3A = arith.constant 819072 : i32
      %min3A_268 = arith.minsi %add3A_267, %min3A : i32
      %dma_wait3A_269 = tpu.memref_slice %arg2[%min3A_268] : memref<819200xi32, #tpu.memory_space<hbm>> -> memref<128xi32, #tpu.memory_space<hbm>>
      %dma_wait3A_270 = tpu.memref_slice %arg2[%min3A_268] : memref<819200xi32, #tpu.memory_space<hbm>> -> memref<128xi32, #tpu.memory_space<hbm>>
      tpu.wait_dma2 semaphore(%arg23 : memref<!tpu.dma_semaphore, #tpu.memory_space<semaphore_mem>>) src(%dma_wait3A_270 : memref<128xi32, #tpu.memory_space<hbm>>) dst(%arg7 : memref<128xi32, #tpu.memory_space<vmem>>)
      %dma_start3A_271 = arith.constant 0 : i32
      %dma_start3A_272 = arith.constant 0 : i32
      %dma_start3A_273 = tpu.memref_slice %arg4[%dma_start3A_271, %dma_start3A_272] : memref<1000000x128xf32, #tpu.memory_space<hbm>> -> memref<1000000x128xf32, #tpu.memory_space<hbm>>
      tpu.enqueue_indirect_dma source(%dma_start3A_273 : memref<1000000x128xf32, #tpu.memory_space<hbm>>) target(%arg10 : memref<128x128xf32, #tpu.memory_space<vmem>>) offsets(%arg7 : memref<128xi32, #tpu.memory_space<vmem>>) semaphore(%arg17 : memref<!tpu.dma_semaphore, #tpu.memory_space<semaphore_mem>>)
    } else {
    }
    %gt3A_81 = arith.constant 1 : i32
    %gt3A_82 = arith.cmpi sgt, %select_n3A_61, %gt3A_81 : i32
    %convert_element_type3A_83 = arith.extui %gt3A_82 : i1 to i32
    %cond3A_84 = arith.constant 0 : i32
    %cond3A_85 = arith.cmpi ne, %convert_element_type3A_83, %cond3A_84 : i32
    scf.if %cond3A_85 {
      %add3A_266 = arith.constant 128 : i32
      %add3A_267 = arith.addi %mul3A_32, %add3A_266 : i32
      %min3A = arith.constant 819072 : i32
      %min3A_268 = arith.minsi %add3A_267, %min3A : i32
      %dma_wait3A_269 = tpu.memref_slice %arg2[%min3A_268] : memref<819200xi32, #tpu.memory_space<hbm>> -> memref<128xi32, #tpu.memory_space<hbm>>
      %dma_wait3A_270 = tpu.memref_slice %arg2[%min3A_268] : memref<819200xi32, #tpu.memory_space<hbm>> -> memref<128xi32, #tpu.memory_space<hbm>>
      tpu.wait_dma2 semaphore(%arg24 : memref<!tpu.dma_semaphore, #tpu.memory_space<semaphore_mem>>) src(%dma_wait3A_270 : memref<128xi32, #tpu.memory_space<hbm>>) dst(%arg8 : memref<128xi32, #tpu.memory_space<vmem>>)
      %dma_start3A_271 = arith.constant 0 : i32
      %dma_start3A_272 = arith.constant 0 : i32
      %dma_start3A_273 = tpu.memref_slice %arg4[%dma_start3A_271, %dma_start3A_272] : memref<1000000x128xf32, #tpu.memory_space<hbm>> -> memref<1000000x128xf32, #tpu.memory_space<hbm>>
      tpu.enqueue_indirect_dma source(%dma_start3A_273 : memref<1000000x128xf32, #tpu.memory_space<hbm>>) target(%arg11 : memref<128x128xf32, #tpu.memory_space<vmem>>) offsets(%arg8 : memref<128xi32, #tpu.memory_space<vmem>>) semaphore(%arg18 : memref<!tpu.dma_semaphore, #tpu.memory_space<semaphore_mem>>)
    } else {
    }
    %broadcast_in_dim3A = arith.constant 0.000000e+00 : f32
    %broadcast_in_dim3A_86 = vector.broadcast %broadcast_in_dim3A : f32 to vector<16xf32>
    %scan3A = arith.constant 0 : i32
    %scan3A_87 = arith.constant 0 : i32
    %scan3A_88 = arith.constant 128 : i32
    %scan3A_89 = arith.addi %scan3A_87, %scan3A_88 : i32
    %scan3A_90 = arith.constant 1 : i32
    scf.for %scan3A_266 = %scan3A_87 to %scan3A_89 step %scan3A_90  : i32 {
      %swap3A = arith.index_cast %scan3A_266 : i32 to index
      %swap3A_267 = arith.constant 0 : index
      %swap3A_268 = tpu.vector_load %arg12[%swap3A, %swap3A_267] {strides = array<i32>} : memref<128x128xf32, #tpu.memory_space<vmem>>, vector<16xf32>,
      tpu.vector_store %arg12[%swap3A, %swap3A_267], %broadcast_in_dim3A_86 {strides = array<i32>} : memref<128x128xf32, #tpu.memory_space<vmem>>, vector<16xf32>,
      %swap3A_269 = arith.index_cast %scan3A_266 : i32 to index
      %swap3A_270 = arith.constant 16 : index
      %swap3A_271 = tpu.vector_load %arg12[%swap3A_269, %swap3A_270] {strides = array<i32>} : memref<128x128xf32, #tpu.memory_space<vmem>>, vector<16xf32>,
      tpu.vector_store %arg12[%swap3A_269, %swap3A_270], %broadcast_in_dim3A_86 {strides = array<i32>} : memref<128x128xf32, #tpu.memory_space<vmem>>, vector<16xf32>,
      %swap3A_272 = arith.index_cast %scan3A_266 : i32 to index
      %swap3A_273 = arith.constant 32 : index
      %swap3A_274 = tpu.vector_load %arg12[%swap3A_272, %swap3A_273] {strides = array<i32>} : memref<128x128xf32, #tpu.memory_space<vmem>>, vector<16xf32>,
      tpu.vector_store %arg12[%swap3A_272, %swap3A_273], %broadcast_in_dim3A_86 {strides = array<i32>} : memref<128x128xf32, #tpu.memory_space<vmem>>, vector<16xf32>,
      %swap3A_275 = arith.index_cast %scan3A_266 : i32 to index
      %swap3A_276 = arith.constant 48 : index
      %swap3A_277 = tpu.vector_load %arg12[%swap3A_275, %swap3A_276] {strides = array<i32>} : memref<128x128xf32, #tpu.memory_space<vmem>>, vector<16xf32>,
      tpu.vector_store %arg12[%swap3A_275, %swap3A_276], %broadcast_in_dim3A_86 {strides = array<i32>} : memref<128x128xf32, #tpu.memory_space<vmem>>, vector<16xf32>,
      %swap3A_278 = arith.index_cast %scan3A_266 : i32 to index
      %swap3A_279 = arith.constant 64 : index
      %swap3A_280 = tpu.vector_load %arg12[%swap3A_278, %swap3A_279] {strides = array<i32>} : memref<128x128xf32, #tpu.memory_space<vmem>>, vector<16xf32>,
      tpu.vector_store %arg12[%swap3A_278, %swap3A_279], %broadcast_in_dim3A_86 {strides = array<i32>} : memref<128x128xf32, #tpu.memory_space<vmem>>, vector<16xf32>,
      %swap3A_281 = arith.index_cast %scan3A_266 : i32 to index
      %swap3A_282 = arith.constant 80 : index
      %swap3A_283 = tpu.vector_load %arg12[%swap3A_281, %swap3A_282] {strides = array<i32>} : memref<128x128xf32, #tpu.memory_space<vmem>>, vector<16xf32>,
      tpu.vector_store %arg12[%swap3A_281, %swap3A_282], %broadcast_in_dim3A_86 {strides = array<i32>} : memref<128x128xf32, #tpu.memory_space<vmem>>, vector<16xf32>,
      %swap3A_284 = arith.index_cast %scan3A_266 : i32 to index
      %swap3A_285 = arith.constant 96 : index
      %swap3A_286 = tpu.vector_load %arg12[%swap3A_284, %swap3A_285] {strides = array<i32>} : memref<128x128xf32, #tpu.memory_space<vmem>>, vector<16xf32>,
      tpu.vector_store %arg12[%swap3A_284, %swap3A_285], %broadcast_in_dim3A_86 {strides = array<i32>} : memref<128x128xf32, #tpu.memory_space<vmem>>, vector<16xf32>,
      %swap3A_287 = arith.index_cast %scan3A_266 : i32 to index
      %swap3A_288 = arith.constant 112 : index
      %swap3A_289 = tpu.vector_load %arg12[%swap3A_287, %swap3A_288] {strides = array<i32>} : memref<128x128xf32, #tpu.memory_space<vmem>>, vector<16xf32>,
      tpu.vector_store %arg12[%swap3A_287, %swap3A_288], %broadcast_in_dim3A_86 {strides = array<i32>} : memref<128x128xf32, #tpu.memory_space<vmem>>, vector<16xf32>,
    }
    %scan3A_91 = arith.constant 128 : i32
    %add3A_92 = arith.constant 0 : i32
    %add3A_93 = arith.addi %mul3A_4, %add3A_92 : i32
    %dma_start3A = arith.constant 0 : i32
    %dma_start3A_94 = tpu.memref_slice %arg16[%add3A_93, %dma_start3A] : memref<8208x128xf32, #tpu.memory_space<vmem_shared>> -> memref<128x128xf32, #tpu.memory_space<vmem_shared>>
    %dma_start3A_95 = arith.constant 0 : i32
    %dma_start3A_96 = tpu.memref_slice %arg16[%add3A_93, %dma_start3A_95] : memref<8208x128xf32, #tpu.memory_space<vmem_shared>> -> memref<128x128xf32, #tpu.memory_space<vmem_shared>>
    tpu.enqueue_dma source(%arg12 : memref<128x128xf32, #tpu.memory_space<vmem>>) target(%dma_start3A_96 : memref<128x128xf32, #tpu.memory_space<vmem_shared>>) target_semaphore(%arg26 : memref<!tpu.dma_semaphore, #tpu.memory_space<semaphore_mem>>)
    %dma_wait3A = arith.constant 0 : i32
    %dma_wait3A_97 = tpu.memref_slice %arg16[%add3A_93, %dma_wait3A] : memref<8208x128xf32, #tpu.memory_space<vmem_shared>> -> memref<128x128xf32, #tpu.memory_space<vmem_shared>>
    %dma_wait3A_98 = arith.constant 0 : i32
    %dma_wait3A_99 = tpu.memref_slice %arg16[%add3A_93, %dma_wait3A_98] : memref<8208x128xf32, #tpu.memory_space<vmem_shared>> -> memref<128x128xf32, #tpu.memory_space<vmem_shared>>
    tpu.wait_dma2 semaphore(%arg26 : memref<!tpu.dma_semaphore, #tpu.memory_space<semaphore_mem>>) src(%arg12 : memref<128x128xf32, #tpu.memory_space<vmem>>) dst(%dma_wait3A_99 : memref<128x128xf32, #tpu.memory_space<vmem_shared>>)
    %add3A_100 = arith.constant 128 : i32
    %add3A_101 = arith.addi %mul3A_4, %add3A_100 : i32
    %dma_start3A_102 = arith.constant 0 : i32
    %dma_start3A_103 = tpu.memref_slice %arg16[%add3A_101, %dma_start3A_102] : memref<8208x128xf32, #tpu.memory_space<vmem_shared>> -> memref<128x128xf32, #tpu.memory_space<vmem_shared>>
    %dma_start3A_104 = arith.constant 0 : i32
    %dma_start3A_105 = tpu.memref_slice %arg16[%add3A_101, %dma_start3A_104] : memref<8208x128xf32, #tpu.memory_space<vmem_shared>> -> memref<128x128xf32, #tpu.memory_space<vmem_shared>>
    tpu.enqueue_dma source(%arg12 : memref<128x128xf32, #tpu.memory_space<vmem>>) target(%dma_start3A_105 : memref<128x128xf32, #tpu.memory_space<vmem_shared>>) target_semaphore(%arg26 : memref<!tpu.dma_semaphore, #tpu.memory_space<semaphore_mem>>)
    %dma_wait3A_106 = arith.constant 0 : i32
    %dma_wait3A_107 = tpu.memref_slice %arg16[%add3A_101, %dma_wait3A_106] : memref<8208x128xf32, #tpu.memory_space<vmem_shared>> -> memref<128x128xf32, #tpu.memory_space<vmem_shared>>
    %dma_wait3A_108 = arith.constant 0 : i32
    %dma_wait3A_109 = tpu.memref_slice %arg16[%add3A_101, %dma_wait3A_108] : memref<8208x128xf32, #tpu.memory_space<vmem_shared>> -> memref<128x128xf32, #tpu.memory_space<vmem_shared>>
    tpu.wait_dma2 semaphore(%arg26 : memref<!tpu.dma_semaphore, #tpu.memory_space<semaphore_mem>>) src(%arg12 : memref<128x128xf32, #tpu.memory_space<vmem>>) dst(%dma_wait3A_109 : memref<128x128xf32, #tpu.memory_space<vmem_shared>>)
    %add3A_110 = arith.constant 256 : i32
    %add3A_111 = arith.addi %mul3A_4, %add3A_110 : i32
    %dma_start3A_112 = arith.constant 0 : i32
    %dma_start3A_113 = tpu.memref_slice %arg16[%add3A_111, %dma_start3A_112] : memref<8208x128xf32, #tpu.memory_space<vmem_shared>> -> memref<128x128xf32, #tpu.memory_space<vmem_shared>>
    %dma_start3A_114 = arith.constant 0 : i32
    %dma_start3A_115 = tpu.memref_slice %arg16[%add3A_111, %dma_start3A_114] : memref<8208x128xf32, #tpu.memory_space<vmem_shared>> -> memref<128x128xf32, #tpu.memory_space<vmem_shared>>
    tpu.enqueue_dma source(%arg12 : memref<128x128xf32, #tpu.memory_space<vmem>>) target(%dma_start3A_115 : memref<128x128xf32, #tpu.memory_space<vmem_shared>>) target_semaphore(%arg26 : memref<!tpu.dma_semaphore, #tpu.memory_space<semaphore_mem>>)
    %dma_wait3A_116 = arith.constant 0 : i32
    %dma_wait3A_117 = tpu.memref_slice %arg16[%add3A_111, %dma_wait3A_116] : memref<8208x128xf32, #tpu.memory_space<vmem_shared>> -> memref<128x128xf32, #tpu.memory_space<vmem_shared>>
    %dma_wait3A_118 = arith.constant 0 : i32
    %dma_wait3A_119 = tpu.memref_slice %arg16[%add3A_111, %dma_wait3A_118] : memref<8208x128xf32, #tpu.memory_space<vmem_shared>> -> memref<128x128xf32, #tpu.memory_space<vmem_shared>>
    tpu.wait_dma2 semaphore(%arg26 : memref<!tpu.dma_semaphore, #tpu.memory_space<semaphore_mem>>) src(%arg12 : memref<128x128xf32, #tpu.memory_space<vmem>>) dst(%dma_wait3A_119 : memref<128x128xf32, #tpu.memory_space<vmem_shared>>)
    %add3A_120 = arith.constant 384 : i32
    %add3A_121 = arith.addi %mul3A_4, %add3A_120 : i32
    %dma_start3A_122 = arith.constant 0 : i32
    %dma_start3A_123 = tpu.memref_slice %arg16[%add3A_121, %dma_start3A_122] : memref<8208x128xf32, #tpu.memory_space<vmem_shared>> -> memref<128x128xf32, #tpu.memory_space<vmem_shared>>
    %dma_start3A_124 = arith.constant 0 : i32
    %dma_start3A_125 = tpu.memref_slice %arg16[%add3A_121, %dma_start3A_124] : memref<8208x128xf32, #tpu.memory_space<vmem_shared>> -> memref<128x128xf32, #tpu.memory_space<vmem_shared>>
    tpu.enqueue_dma source(%arg12 : memref<128x128xf32, #tpu.memory_space<vmem>>) target(%dma_start3A_125 : memref<128x128xf32, #tpu.memory_space<vmem_shared>>) target_semaphore(%arg26 : memref<!tpu.dma_semaphore, #tpu.memory_space<semaphore_mem>>)
    %dma_wait3A_126 = arith.constant 0 : i32
    %dma_wait3A_127 = tpu.memref_slice %arg16[%add3A_121, %dma_wait3A_126] : memref<8208x128xf32, #tpu.memory_space<vmem_shared>> -> memref<128x128xf32, #tpu.memory_space<vmem_shared>>
    %dma_wait3A_128 = arith.constant 0 : i32
    %dma_wait3A_129 = tpu.memref_slice %arg16[%add3A_121, %dma_wait3A_128] : memref<8208x128xf32, #tpu.memory_space<vmem_shared>> -> memref<128x128xf32, #tpu.memory_space<vmem_shared>>
    tpu.wait_dma2 semaphore(%arg26 : memref<!tpu.dma_semaphore, #tpu.memory_space<semaphore_mem>>) src(%arg12 : memref<128x128xf32, #tpu.memory_space<vmem>>) dst(%dma_wait3A_129 : memref<128x128xf32, #tpu.memory_space<vmem_shared>>)
    %add3A_130 = arith.constant 512 : i32
    %add3A_131 = arith.addi %mul3A_4, %add3A_130 : i32
    %dma_start3A_132 = arith.constant 0 : i32
    %dma_start3A_133 = arith.constant 0 : i32
    %dma_start3A_134 = tpu.memref_slice %arg12[%dma_start3A_132, %dma_start3A_133] : memref<128x128xf32, #tpu.memory_space<vmem>> -> memref<1x128xf32, #tpu.memory_space<vmem>>
    %dma_start3A_135 = arith.constant 0 : i32
    %dma_start3A_136 = tpu.memref_slice %arg16[%add3A_131, %dma_start3A_135] : memref<8208x128xf32, #tpu.memory_space<vmem_shared>> -> memref<1x128xf32, #tpu.memory_space<vmem_shared>>
    %dma_start3A_137 = arith.constant 0 : i32
    %dma_start3A_138 = tpu.memref_slice %arg16[%add3A_131, %dma_start3A_137] : memref<8208x128xf32, #tpu.memory_space<vmem_shared>> -> memref<1x128xf32, #tpu.memory_space<vmem_shared>>
    %dma_start3A_139 = arith.constant 0 : i32
    %dma_start3A_140 = arith.constant 0 : i32
    %dma_start3A_141 = tpu.memref_slice %arg12[%dma_start3A_139, %dma_start3A_140] : memref<128x128xf32, #tpu.memory_space<vmem>> -> memref<1x128xf32, #tpu.memory_space<vmem>>
    tpu.enqueue_dma source(%dma_start3A_141 : memref<1x128xf32, #tpu.memory_space<vmem>>) target(%dma_start3A_138 : memref<1x128xf32, #tpu.memory_space<vmem_shared>>) target_semaphore(%arg26 : memref<!tpu.dma_semaphore, #tpu.memory_space<semaphore_mem>>)
    %dma_wait3A_142 = arith.constant 0 : i32
    %dma_wait3A_143 = arith.constant 0 : i32
    %dma_wait3A_144 = tpu.memref_slice %arg12[%dma_wait3A_142, %dma_wait3A_143] : memref<128x128xf32, #tpu.memory_space<vmem>> -> memref<1x128xf32, #tpu.memory_space<vmem>>
    %dma_wait3A_145 = arith.constant 0 : i32
    %dma_wait3A_146 = tpu.memref_slice %arg16[%add3A_131, %dma_wait3A_145] : memref<8208x128xf32, #tpu.memory_space<vmem_shared>> -> memref<1x128xf32, #tpu.memory_space<vmem_shared>>
    %dma_wait3A_147 = arith.constant 0 : i32
    %dma_wait3A_148 = tpu.memref_slice %arg16[%add3A_131, %dma_wait3A_147] : memref<8208x128xf32, #tpu.memory_space<vmem_shared>> -> memref<1x128xf32, #tpu.memory_space<vmem_shared>>
    %dma_wait3A_149 = arith.constant 0 : i32
    %dma_wait3A_150 = arith.constant 0 : i32
    %dma_wait3A_151 = tpu.memref_slice %arg12[%dma_wait3A_149, %dma_wait3A_150] : memref<128x128xf32, #tpu.memory_space<vmem>> -> memref<1x128xf32, #tpu.memory_space<vmem>>
    tpu.wait_dma2 semaphore(%arg26 : memref<!tpu.dma_semaphore, #tpu.memory_space<semaphore_mem>>) src(%dma_wait3A_151 : memref<1x128xf32, #tpu.memory_space<vmem>>) dst(%dma_wait3A_148 : memref<1x128xf32, #tpu.memory_space<vmem_shared>>)
    %add3A_152 = arith.constant 3 : i32
    %add3A_153 = arith.addi %select_n3A_61, %add3A_152 : i32
    %sub3A_154 = arith.constant 1 : i32
    %sub3A_155 = arith.subi %add3A_153, %sub3A_154 : i32
    %jit3A_156 = arith.constant 3 : i32
    %div3A_157 = arith.divsi %sub3A_155, %jit3A_156 : i32
    %sign3A_158 = arith.constant 0 : i32
    %sign3A_159 = arith.cmpi sgt, %sub3A_155, %sign3A_158 : i32
    %sign3A_160 = arith.extui %sign3A_159 : i1 to i32
    %sign3A_161 = arith.constant 0 : i32
    %sign3A_162 = arith.cmpi slt, %sub3A_155, %sign3A_161 : i32
    %sign3A_163 = arith.extui %sign3A_162 : i1 to i32
    %sign3A_164 = arith.subi %sign3A_160, %sign3A_163 : i32
    %sign3A_165 = arith.constant 0 : i32
    %sign3A_166 = arith.cmpi sgt, %jit3A_156, %sign3A_165 : i32
    %sign3A_167 = arith.extui %sign3A_166 : i1 to i32
    %sign3A_168 = arith.constant 0 : i32
    %sign3A_169 = arith.cmpi slt, %jit3A_156, %sign3A_168 : i32
    %sign3A_170 = arith.extui %sign3A_169 : i1 to i32
    %sign3A_171 = arith.subi %sign3A_167, %sign3A_170 : i32
    %ne3A_172 = arith.cmpi ne, %sign3A_164, %sign3A_171 : i32
    %rem3A_173 = arith.remsi %sub3A_155, %jit3A_156 : i32
    %ne3A_174 = arith.constant 0 : i32
    %ne3A_175 = arith.cmpi ne, %rem3A_173, %ne3A_174 : i32
    %and3A_176 = arith.andi %ne3A_172, %ne3A_175 : i1
    %sub3A_177 = arith.constant 1 : i32
    %sub3A_178 = arith.subi %div3A_157, %sub3A_177 : i32
    %select_n3A_179 = arith.select %and3A_176, %sub3A_178, %div3A_157 : i32
    %while3A = arith.constant 0 : i32
    %while3A_180 = arith.constant 0 : i32
    %while3A_181 = arith.subi %select_n3A_179, %while3A_180 : i32
    %while3A_182 = arith.addi %while3A_180, %while3A_181 : i32
    %while3A_183 = arith.constant 1 : i32
    %while3A_184 = arith.divsi %while3A_181, %while3A_183 : i32
    %while3A_185 = arith.muli %while3A_184, %while3A_183 : i32
    %while3A_186 = arith.addi %while3A_180, %while3A_185 : i32
    %while3A_187 = arith.constant 1 : i32
    scf.for %while3A_266 = %while3A_180 to %while3A_186 step %while3A_187  : i32 {
      %mul3A_267 = arith.constant 3 : i32
      %mul3A_268 = arith.muli %mul3A_267, %while3A_266 : i32
      %add3A_269 = arith.constant 0 : i32
      %add3A_270 = arith.addi %mul3A_268, %add3A_269 : i32
      %lt3A_271 = arith.cmpi slt, %add3A_270, %select_n3A_61 : i32
      %convert_element_type3A_272 = arith.extui %lt3A_271 : i1 to i32
      %cond3A_273 = arith.constant 0 : i32
      %cond3A_274 = arith.cmpi ne, %convert_element_type3A_272, %cond3A_273 : i32
      scf.if %cond3A_274 {
        %dma_wait3A_291 = arith.constant 0 : i32
        %dma_wait3A_292 = arith.constant 0 : i32
        %dma_wait3A_293 = tpu.memref_slice %arg4[%dma_wait3A_291, %dma_wait3A_292] : memref<1000000x128xf32, #tpu.memory_space<hbm>> -> memref<1000000x128xf32, #tpu.memory_space<hbm>>
        tpu.wait_indirect_dma semaphore(%arg17 : memref<!tpu.dma_semaphore, #tpu.memory_space<semaphore_mem>>) src(%dma_wait3A_293 : memref<1000000x128xf32, #tpu.memory_space<hbm>>) dst(%arg10 : memref<128x128xf32, #tpu.memory_space<vmem>>)
        %add3A_294 = arith.constant 3 : i32
        %add3A_295 = arith.addi %add3A_270, %add3A_294 : i32
        %lt3A_296 = arith.cmpi slt, %add3A_295, %select_n3A_61 : i32
        %convert_element_type3A_297 = arith.extui %lt3A_296 : i1 to i32
        %cond3A_298 = arith.constant 0 : i32
        %cond3A_299 = arith.cmpi ne, %convert_element_type3A_297, %cond3A_298 : i32
        scf.if %cond3A_299 {
          %mul3A_324 = arith.constant 128 : i32
          %mul3A_325 = arith.muli %add3A_295, %mul3A_324 : i32
          %add3A_326 = arith.addi %mul3A_32, %mul3A_325 : i32
          %min3A_327 = arith.constant 819072 : i32
          %min3A_328 = arith.minsi %add3A_326, %min3A_327 : i32
          %dma_start3A_329 = tpu.memref_slice %arg2[%min3A_328] : memref<819200xi32, #tpu.memory_space<hbm>> -> memref<128xi32, #tpu.memory_space<hbm>>
          %dma_start3A_330 = tpu.memref_slice %arg2[%min3A_328] : memref<819200xi32, #tpu.memory_space<hbm>> -> memref<128xi32, #tpu.memory_space<hbm>>
          tpu.enqueue_dma source(%dma_start3A_330 : memref<128xi32, #tpu.memory_space<hbm>>) target(%arg7 : memref<128xi32, #tpu.memory_space<vmem>>) target_semaphore(%arg23 : memref<!tpu.dma_semaphore, #tpu.memory_space<semaphore_mem>>)
        } else {
        }
        %mul3A_300 = arith.constant 128 : i32
        %mul3A_301 = arith.muli %add3A_270, %mul3A_300 : i32
        %add3A_302 = arith.addi %mul3A_32, %mul3A_301 : i32
        %min3A = arith.constant 819072 : i32
        %min3A_303 = arith.minsi %add3A_302, %min3A : i32
        %max3A = arith.maxsi %add3A_302, %squeeze3A : i32
        %scan3A_304 = arith.constant 0 : i32
        %scan3A_305 = arith.constant 0 : i32
        %scan3A_306 = arith.constant 8 : i32
        %scan3A_307 = arith.addi %scan3A_305, %scan3A_306 : i32
        %scan3A_308 = arith.constant 1 : i32
        scf.for %scan3A_324 = %scan3A_305 to %scan3A_307 step %scan3A_308  : i32 {
          %mul3A_325 = arith.constant 16 : i32
          %mul3A_326 = arith.muli %scan3A_324, %mul3A_325 : i32
          %add3A_327 = arith.addi %min3A_303, %mul3A_326 : i32
          %add3A_328 = vector.broadcast %add3A_327 : i32 to vector<16xi32>
          %add3A_329 = arith.addi %add3A_328, %iota3A : vector<16xi32>
          %broadcast_in_dim3A_330 = arith.constant 0 : i32
          %broadcast_in_dim3A_331 = vector.broadcast %broadcast_in_dim3A_330 : i32 to vector<16xi32>
          %add3A_332 = arith.constant 256 : i32
          %add3A_333 = vector.broadcast %add3A_332 : i32 to vector<16xi32>
          %add3A_334 = arith.addi %broadcast_in_dim3A_331, %add3A_333 : vector<16xi32>
          %min3A_335 = arith.constant 511 : i32
          %min3A_336 = vector.broadcast %min3A_335 : i32 to vector<16xi32>
          %min3A_337 = arith.minsi %add3A_334, %min3A_336 : vector<16xi32>
          %gather3A = tpu.vector_load_idx %arg6[%min3A_337] : memref<528xi32, #tpu.memory_space<vmem>>[vector<16xi32>], vector<16xi32>,
          %le3A = arith.cmpi sle, %gather3A, %add3A_329 : vector<16xi32>
          %select_n3A_338 = arith.select %le3A, %min3A_337, %broadcast_in_dim3A_331 : vector<16xi1>, vector<16xi32>
          %add3A_339 = arith.constant 128 : i32
          %add3A_340 = vector.broadcast %add3A_339 : i32 to vector<16xi32>
          %add3A_341 = arith.addi %select_n3A_338, %add3A_340 : vector<16xi32>
          %min3A_342 = arith.constant 511 : i32
          %min3A_343 = vector.broadcast %min3A_342 : i32 to vector<16xi32>
          %min3A_344 = arith.minsi %add3A_341, %min3A_343 : vector<16xi32>
          %gather3A_345 = tpu.vector_load_idx %arg6[%min3A_344] : memref<528xi32, #tpu.memory_space<vmem>>[vector<16xi32>], vector<16xi32>,
          %le3A_346 = arith.cmpi sle, %gather3A_345, %add3A_329 : vector<16xi32>
          %select_n3A_347 = arith.select %le3A_346, %min3A_344, %select_n3A_338 : vector<16xi1>, vector<16xi32>
          %add3A_348 = arith.constant 64 : i32
          %add3A_349 = vector.broadcast %add3A_348 : i32 to vector<16xi32>
          %add3A_350 = arith.addi %select_n3A_347, %add3A_349 : vector<16xi32>
          %min3A_351 = arith.constant 511 : i32
          %min3A_352 = vector.broadcast %min3A_351 : i32 to vector<16xi32>
          %min3A_353 = arith.minsi %add3A_350, %min3A_352 : vector<16xi32>
          %gather3A_354 = tpu.vector_load_idx %arg6[%min3A_353] : memref<528xi32, #tpu.memory_space<vmem>>[vector<16xi32>], vector<16xi32>,
          %le3A_355 = arith.cmpi sle, %gather3A_354, %add3A_329 : vector<16xi32>
          %select_n3A_356 = arith.select %le3A_355, %min3A_353, %select_n3A_347 : vector<16xi1>, vector<16xi32>
          %add3A_357 = arith.constant 32 : i32
          %add3A_358 = vector.broadcast %add3A_357 : i32 to vector<16xi32>
          %add3A_359 = arith.addi %select_n3A_356, %add3A_358 : vector<16xi32>
          %min3A_360 = arith.constant 511 : i32
          %min3A_361 = vector.broadcast %min3A_360 : i32 to vector<16xi32>
          %min3A_362 = arith.minsi %add3A_359, %min3A_361 : vector<16xi32>
          %gather3A_363 = tpu.vector_load_idx %arg6[%min3A_362] : memref<528xi32, #tpu.memory_space<vmem>>[vector<16xi32>], vector<16xi32>,
          %le3A_364 = arith.cmpi sle, %gather3A_363, %add3A_329 : vector<16xi32>
          %select_n3A_365 = arith.select %le3A_364, %min3A_362, %select_n3A_356 : vector<16xi1>, vector<16xi32>
          %add3A_366 = arith.constant 16 : i32
          %add3A_367 = vector.broadcast %add3A_366 : i32 to vector<16xi32>
          %add3A_368 = arith.addi %select_n3A_365, %add3A_367 : vector<16xi32>
          %min3A_369 = arith.constant 511 : i32
          %min3A_370 = vector.broadcast %min3A_369 : i32 to vector<16xi32>
          %min3A_371 = arith.minsi %add3A_368, %min3A_370 : vector<16xi32>
          %gather3A_372 = tpu.vector_load_idx %arg6[%min3A_371] : memref<528xi32, #tpu.memory_space<vmem>>[vector<16xi32>], vector<16xi32>,
          %le3A_373 = arith.cmpi sle, %gather3A_372, %add3A_329 : vector<16xi32>
          %select_n3A_374 = arith.select %le3A_373, %min3A_371, %select_n3A_365 : vector<16xi1>, vector<16xi32>
          %add3A_375 = arith.constant 8 : i32
          %add3A_376 = vector.broadcast %add3A_375 : i32 to vector<16xi32>
          %add3A_377 = arith.addi %select_n3A_374, %add3A_376 : vector<16xi32>
          %min3A_378 = arith.constant 511 : i32
          %min3A_379 = vector.broadcast %min3A_378 : i32 to vector<16xi32>
          %min3A_380 = arith.minsi %add3A_377, %min3A_379 : vector<16xi32>
          %gather3A_381 = tpu.vector_load_idx %arg6[%min3A_380] : memref<528xi32, #tpu.memory_space<vmem>>[vector<16xi32>], vector<16xi32>,
          %le3A_382 = arith.cmpi sle, %gather3A_381, %add3A_329 : vector<16xi32>
          %select_n3A_383 = arith.select %le3A_382, %min3A_380, %select_n3A_374 : vector<16xi1>, vector<16xi32>
          %add3A_384 = arith.constant 4 : i32
          %add3A_385 = vector.broadcast %add3A_384 : i32 to vector<16xi32>
          %add3A_386 = arith.addi %select_n3A_383, %add3A_385 : vector<16xi32>
          %min3A_387 = arith.constant 511 : i32
          %min3A_388 = vector.broadcast %min3A_387 : i32 to vector<16xi32>
          %min3A_389 = arith.minsi %add3A_386, %min3A_388 : vector<16xi32>
          %gather3A_390 = tpu.vector_load_idx %arg6[%min3A_389] : memref<528xi32, #tpu.memory_space<vmem>>[vector<16xi32>], vector<16xi32>,
          %le3A_391 = arith.cmpi sle, %gather3A_390, %add3A_329 : vector<16xi32>
          %select_n3A_392 = arith.select %le3A_391, %min3A_389, %select_n3A_383 : vector<16xi1>, vector<16xi32>
          %add3A_393 = arith.constant 2 : i32
          %add3A_394 = vector.broadcast %add3A_393 : i32 to vector<16xi32>
          %add3A_395 = arith.addi %select_n3A_392, %add3A_394 : vector<16xi32>
          %min3A_396 = arith.constant 511 : i32
          %min3A_397 = vector.broadcast %min3A_396 : i32 to vector<16xi32>
          %min3A_398 = arith.minsi %add3A_395, %min3A_397 : vector<16xi32>
          %gather3A_399 = tpu.vector_load_idx %arg6[%min3A_398] : memref<528xi32, #tpu.memory_space<vmem>>[vector<16xi32>], vector<16xi32>,
          %le3A_400 = arith.cmpi sle, %gather3A_399, %add3A_329 : vector<16xi32>
          %select_n3A_401 = arith.select %le3A_400, %min3A_398, %select_n3A_392 : vector<16xi1>, vector<16xi32>
          %add3A_402 = arith.constant 1 : i32
          %add3A_403 = vector.broadcast %add3A_402 : i32 to vector<16xi32>
          %add3A_404 = arith.addi %select_n3A_401, %add3A_403 : vector<16xi32>
          %min3A_405 = arith.constant 511 : i32
          %min3A_406 = vector.broadcast %min3A_405 : i32 to vector<16xi32>
          %min3A_407 = arith.minsi %add3A_404, %min3A_406 : vector<16xi32>
          %gather3A_408 = tpu.vector_load_idx %arg6[%min3A_407] : memref<528xi32, #tpu.memory_space<vmem>>[vector<16xi32>], vector<16xi32>,
          %le3A_409 = arith.cmpi sle, %gather3A_408, %add3A_329 : vector<16xi32>
          %select_n3A_410 = arith.select %le3A_409, %min3A_407, %select_n3A_401 : vector<16xi1>, vector<16xi32>
          %ge3A_411 = vector.broadcast %max3A : i32 to vector<16xi32>
          %ge3A_412 = arith.cmpi sge, %add3A_329, %ge3A_411 : vector<16xi32>
          %lt3A_413 = vector.broadcast %select_n3A : i32 to vector<16xi32>
          %lt3A_414 = arith.cmpi slt, %add3A_329, %lt3A_413 : vector<16xi32>
          %and3A_415 = arith.andi %ge3A_412, %lt3A_414 : vector<16xi1>
          %jit3A_416 = arith.constant 512 : i32
          %broadcast_in_dim3A_417 = vector.broadcast %jit3A_416 : i32 to vector<16xi32>
          %select_n3A_418 = arith.select %and3A_415, %select_n3A_410, %broadcast_in_dim3A_417 : vector<16xi1>, vector<16xi32>
          %add3A_419 = vector.broadcast %mul3A_4 : i32 to vector<16xi32>
          %add3A_420 = arith.addi %select_n3A_418, %add3A_419 : vector<16xi32>
          %mul3A_421 = arith.constant 16 : i32
          %mul3A_422 = arith.muli %scan3A_324, %mul3A_421 : i32
          %swap3A = arith.index_cast %mul3A_422 : i32 to index
          %swap3A_423 = tpu.vector_load %arg13[%swap3A] {strides = array<i32>} : memref<128xi32, #tpu.memory_space<vmem>>, vector<16xi32>,
          tpu.vector_store %arg13[%swap3A], %add3A_420 {strides = array<i32>} : memref<128xi32, #tpu.memory_space<vmem>>, vector<16xi32>,
        }
        %scan3A_309 = arith.constant 8 : i32
        %dma_start3A_310 = arith.constant 0 : i32
        %dma_start3A_311 = arith.constant 0 : i32
        %dma_start3A_312 = tpu.memref_slice %arg16[%dma_start3A_310, %dma_start3A_311] : memref<8208x128xf32, #tpu.memory_space<vmem_shared>> -> memref<8208x128xf32, #tpu.memory_space<vmem_shared>>
        tpu.enqueue_indirect_dma source(%arg10 : memref<128x128xf32, #tpu.memory_space<vmem>>) target(%dma_start3A_312 : memref<8208x128xf32, #tpu.memory_space<vmem_shared>>) offsets(%arg13 : memref<128xi32, #tpu.memory_space<vmem>>) semaphore(%arg20 : memref<!tpu.dma_semaphore, #tpu.memory_space<semaphore_mem>>) {add = true}
        %ge3A_313 = arith.constant 1 : i32
        %ge3A_314 = arith.cmpi sge, %add3A_270, %ge3A_313 : i32
        %convert_element_type3A_315 = arith.extui %ge3A_314 : i1 to i32
        %cond3A_316 = arith.constant 0 : i32
        %cond3A_317 = arith.cmpi ne, %convert_element_type3A_315, %cond3A_316 : i32
        scf.if %cond3A_317 {
          %dma_wait3A_324 = arith.constant 0 : i32
          %dma_wait3A_325 = arith.constant 0 : i32
          %dma_wait3A_326 = tpu.memref_slice %arg16[%dma_wait3A_324, %dma_wait3A_325] : memref<8208x128xf32, #tpu.memory_space<vmem_shared>> -> memref<8208x128xf32, #tpu.memory_space<vmem_shared>>
          tpu.wait_indirect_dma semaphore(%arg22 : memref<!tpu.dma_semaphore, #tpu.memory_space<semaphore_mem>>) src(%arg12 : memref<128x128xf32, #tpu.memory_space<vmem>>) dst(%dma_wait3A_326 : memref<8208x128xf32, #tpu.memory_space<vmem_shared>>)
        } else {
        }
        %add3A_318 = arith.constant 2 : i32
        %add3A_319 = arith.addi %add3A_270, %add3A_318 : i32
        %lt3A_320 = arith.cmpi slt, %add3A_319, %select_n3A_61 : i32
        %convert_element_type3A_321 = arith.extui %lt3A_320 : i1 to i32
        %cond3A_322 = arith.constant 0 : i32
        %cond3A_323 = arith.cmpi ne, %convert_element_type3A_321, %cond3A_322 : i32
        scf.if %cond3A_323 {
          %mul3A_324 = arith.constant 128 : i32
          %mul3A_325 = arith.muli %add3A_319, %mul3A_324 : i32
          %add3A_326 = arith.addi %mul3A_32, %mul3A_325 : i32
          %min3A_327 = arith.constant 819072 : i32
          %min3A_328 = arith.minsi %add3A_326, %min3A_327 : i32
          %dma_wait3A_329 = tpu.memref_slice %arg2[%min3A_328] : memref<819200xi32, #tpu.memory_space<hbm>> -> memref<128xi32, #tpu.memory_space<hbm>>
          %dma_wait3A_330 = tpu.memref_slice %arg2[%min3A_328] : memref<819200xi32, #tpu.memory_space<hbm>> -> memref<128xi32, #tpu.memory_space<hbm>>
          tpu.wait_dma2 semaphore(%arg25 : memref<!tpu.dma_semaphore, #tpu.memory_space<semaphore_mem>>) src(%dma_wait3A_330 : memref<128xi32, #tpu.memory_space<hbm>>) dst(%arg9 : memref<128xi32, #tpu.memory_space<vmem>>)
          %dma_start3A_331 = arith.constant 0 : i32
          %dma_start3A_332 = arith.constant 0 : i32
          %dma_start3A_333 = tpu.memref_slice %arg4[%dma_start3A_331, %dma_start3A_332] : memref<1000000x128xf32, #tpu.memory_space<hbm>> -> memref<1000000x128xf32, #tpu.memory_space<hbm>>
          tpu.enqueue_indirect_dma source(%dma_start3A_333 : memref<1000000x128xf32, #tpu.memory_space<hbm>>) target(%arg12 : memref<128x128xf32, #tpu.memory_space<vmem>>) offsets(%arg9 : memref<128xi32, #tpu.memory_space<vmem>>) semaphore(%arg19 : memref<!tpu.dma_semaphore, #tpu.memory_space<semaphore_mem>>)
        } else {
        }
      } else {
      }
      %mul3A_275 = arith.constant 3 : i32
      %mul3A_276 = arith.muli %mul3A_275, %while3A_266 : i32
      %add3A_277 = arith.constant 1 : i32
      %add3A_278 = arith.addi %mul3A_276, %add3A_277 : i32
      %lt3A_279 = arith.cmpi slt, %add3A_278, %select_n3A_61 : i32
      %convert_element_type3A_280 = arith.extui %lt3A_279 : i1 to i32
      %cond3A_281 = arith.constant 0 : i32
      %cond3A_282 = arith.cmpi ne, %convert_element_type3A_280, %cond3A_281 : i32
      scf.if %cond3A_282 {
        %dma_wait3A_291 = arith.constant 0 : i32
        %dma_wait3A_292 = arith.constant 0 : i32
        %dma_wait3A_293 = tpu.memref_slice %arg4[%dma_wait3A_291, %dma_wait3A_292] : memref<1000000x128xf32, #tpu.memory_space<hbm>> -> memref<1000000x128xf32, #tpu.memory_space<hbm>>
        tpu.wait_indirect_dma semaphore(%arg18 : memref<!tpu.dma_semaphore, #tpu.memory_space<semaphore_mem>>) src(%dma_wait3A_293 : memref<1000000x128xf32, #tpu.memory_space<hbm>>) dst(%arg11 : memref<128x128xf32, #tpu.memory_space<vmem>>)
        %add3A_294 = arith.constant 3 : i32
        %add3A_295 = arith.addi %add3A_278, %add3A_294 : i32
        %lt3A_296 = arith.cmpi slt, %add3A_295, %select_n3A_61 : i32
        %convert_element_type3A_297 = arith.extui %lt3A_296 : i1 to i32
        %cond3A_298 = arith.constant 0 : i32
        %cond3A_299 = arith.cmpi ne, %convert_element_type3A_297, %cond3A_298 : i32
        scf.if %cond3A_299 {
          %mul3A_324 = arith.constant 128 : i32
          %mul3A_325 = arith.muli %add3A_295, %mul3A_324 : i32
          %add3A_326 = arith.addi %mul3A_32, %mul3A_325 : i32
          %min3A_327 = arith.constant 819072 : i32
          %min3A_328 = arith.minsi %add3A_326, %min3A_327 : i32
          %dma_start3A_329 = tpu.memref_slice %arg2[%min3A_328] : memref<819200xi32, #tpu.memory_space<hbm>> -> memref<128xi32, #tpu.memory_space<hbm>>
          %dma_start3A_330 = tpu.memref_slice %arg2[%min3A_328] : memref<819200xi32, #tpu.memory_space<hbm>> -> memref<128xi32, #tpu.memory_space<hbm>>
          tpu.enqueue_dma source(%dma_start3A_330 : memref<128xi32, #tpu.memory_space<hbm>>) target(%arg8 : memref<128xi32, #tpu.memory_space<vmem>>) target_semaphore(%arg24 : memref<!tpu.dma_semaphore, #tpu.memory_space<semaphore_mem>>)
        } else {
        }
        %mul3A_300 = arith.constant 128 : i32
        %mul3A_301 = arith.muli %add3A_278, %mul3A_300 : i32
        %add3A_302 = arith.addi %mul3A_32, %mul3A_301 : i32
        %min3A = arith.constant 819072 : i32
        %min3A_303 = arith.minsi %add3A_302, %min3A : i32
        %max3A = arith.maxsi %add3A_302, %squeeze3A : i32
        %scan3A_304 = arith.constant 0 : i32
        %scan3A_305 = arith.constant 0 : i32
        %scan3A_306 = arith.constant 8 : i32
        %scan3A_307 = arith.addi %scan3A_305, %scan3A_306 : i32
        %scan3A_308 = arith.constant 1 : i32
        scf.for %scan3A_324 = %scan3A_305 to %scan3A_307 step %scan3A_308  : i32 {
          %mul3A_325 = arith.constant 16 : i32
          %mul3A_326 = arith.muli %scan3A_324, %mul3A_325 : i32
          %add3A_327 = arith.addi %min3A_303, %mul3A_326 : i32
          %add3A_328 = vector.broadcast %add3A_327 : i32 to vector<16xi32>
          %add3A_329 = arith.addi %add3A_328, %iota3A : vector<16xi32>
          %broadcast_in_dim3A_330 = arith.constant 0 : i32
          %broadcast_in_dim3A_331 = vector.broadcast %broadcast_in_dim3A_330 : i32 to vector<16xi32>
          %add3A_332 = arith.constant 256 : i32
          %add3A_333 = vector.broadcast %add3A_332 : i32 to vector<16xi32>
          %add3A_334 = arith.addi %broadcast_in_dim3A_331, %add3A_333 : vector<16xi32>
          %min3A_335 = arith.constant 511 : i32
          %min3A_336 = vector.broadcast %min3A_335 : i32 to vector<16xi32>
          %min3A_337 = arith.minsi %add3A_334, %min3A_336 : vector<16xi32>
          %gather3A = tpu.vector_load_idx %arg6[%min3A_337] : memref<528xi32, #tpu.memory_space<vmem>>[vector<16xi32>], vector<16xi32>,
          %le3A = arith.cmpi sle, %gather3A, %add3A_329 : vector<16xi32>
          %select_n3A_338 = arith.select %le3A, %min3A_337, %broadcast_in_dim3A_331 : vector<16xi1>, vector<16xi32>
          %add3A_339 = arith.constant 128 : i32
          %add3A_340 = vector.broadcast %add3A_339 : i32 to vector<16xi32>
          %add3A_341 = arith.addi %select_n3A_338, %add3A_340 : vector<16xi32>
          %min3A_342 = arith.constant 511 : i32
          %min3A_343 = vector.broadcast %min3A_342 : i32 to vector<16xi32>
          %min3A_344 = arith.minsi %add3A_341, %min3A_343 : vector<16xi32>
          %gather3A_345 = tpu.vector_load_idx %arg6[%min3A_344] : memref<528xi32, #tpu.memory_space<vmem>>[vector<16xi32>], vector<16xi32>,
          %le3A_346 = arith.cmpi sle, %gather3A_345, %add3A_329 : vector<16xi32>
          %select_n3A_347 = arith.select %le3A_346, %min3A_344, %select_n3A_338 : vector<16xi1>, vector<16xi32>
          %add3A_348 = arith.constant 64 : i32
          %add3A_349 = vector.broadcast %add3A_348 : i32 to vector<16xi32>
          %add3A_350 = arith.addi %select_n3A_347, %add3A_349 : vector<16xi32>
          %min3A_351 = arith.constant 511 : i32
          %min3A_352 = vector.broadcast %min3A_351 : i32 to vector<16xi32>
          %min3A_353 = arith.minsi %add3A_350, %min3A_352 : vector<16xi32>
          %gather3A_354 = tpu.vector_load_idx %arg6[%min3A_353] : memref<528xi32, #tpu.memory_space<vmem>>[vector<16xi32>], vector<16xi32>,
          %le3A_355 = arith.cmpi sle, %gather3A_354, %add3A_329 : vector<16xi32>
          %select_n3A_356 = arith.select %le3A_355, %min3A_353, %select_n3A_347 : vector<16xi1>, vector<16xi32>
          %add3A_357 = arith.constant 32 : i32
          %add3A_358 = vector.broadcast %add3A_357 : i32 to vector<16xi32>
          %add3A_359 = arith.addi %select_n3A_356, %add3A_358 : vector<16xi32>
          %min3A_360 = arith.constant 511 : i32
          %min3A_361 = vector.broadcast %min3A_360 : i32 to vector<16xi32>
          %min3A_362 = arith.minsi %add3A_359, %min3A_361 : vector<16xi32>
          %gather3A_363 = tpu.vector_load_idx %arg6[%min3A_362] : memref<528xi32, #tpu.memory_space<vmem>>[vector<16xi32>], vector<16xi32>,
          %le3A_364 = arith.cmpi sle, %gather3A_363, %add3A_329 : vector<16xi32>
          %select_n3A_365 = arith.select %le3A_364, %min3A_362, %select_n3A_356 : vector<16xi1>, vector<16xi32>
          %add3A_366 = arith.constant 16 : i32
          %add3A_367 = vector.broadcast %add3A_366 : i32 to vector<16xi32>
          %add3A_368 = arith.addi %select_n3A_365, %add3A_367 : vector<16xi32>
          %min3A_369 = arith.constant 511 : i32
          %min3A_370 = vector.broadcast %min3A_369 : i32 to vector<16xi32>
          %min3A_371 = arith.minsi %add3A_368, %min3A_370 : vector<16xi32>
          %gather3A_372 = tpu.vector_load_idx %arg6[%min3A_371] : memref<528xi32, #tpu.memory_space<vmem>>[vector<16xi32>], vector<16xi32>,
          %le3A_373 = arith.cmpi sle, %gather3A_372, %add3A_329 : vector<16xi32>
          %select_n3A_374 = arith.select %le3A_373, %min3A_371, %select_n3A_365 : vector<16xi1>, vector<16xi32>
          %add3A_375 = arith.constant 8 : i32
          %add3A_376 = vector.broadcast %add3A_375 : i32 to vector<16xi32>
          %add3A_377 = arith.addi %select_n3A_374, %add3A_376 : vector<16xi32>
          %min3A_378 = arith.constant 511 : i32
          %min3A_379 = vector.broadcast %min3A_378 : i32 to vector<16xi32>
          %min3A_380 = arith.minsi %add3A_377, %min3A_379 : vector<16xi32>
          %gather3A_381 = tpu.vector_load_idx %arg6[%min3A_380] : memref<528xi32, #tpu.memory_space<vmem>>[vector<16xi32>], vector<16xi32>,
          %le3A_382 = arith.cmpi sle, %gather3A_381, %add3A_329 : vector<16xi32>
          %select_n3A_383 = arith.select %le3A_382, %min3A_380, %select_n3A_374 : vector<16xi1>, vector<16xi32>
          %add3A_384 = arith.constant 4 : i32
          %add3A_385 = vector.broadcast %add3A_384 : i32 to vector<16xi32>
          %add3A_386 = arith.addi %select_n3A_383, %add3A_385 : vector<16xi32>
          %min3A_387 = arith.constant 511 : i32
          %min3A_388 = vector.broadcast %min3A_387 : i32 to vector<16xi32>
          %min3A_389 = arith.minsi %add3A_386, %min3A_388 : vector<16xi32>
          %gather3A_390 = tpu.vector_load_idx %arg6[%min3A_389] : memref<528xi32, #tpu.memory_space<vmem>>[vector<16xi32>], vector<16xi32>,
          %le3A_391 = arith.cmpi sle, %gather3A_390, %add3A_329 : vector<16xi32>
          %select_n3A_392 = arith.select %le3A_391, %min3A_389, %select_n3A_383 : vector<16xi1>, vector<16xi32>
          %add3A_393 = arith.constant 2 : i32
          %add3A_394 = vector.broadcast %add3A_393 : i32 to vector<16xi32>
          %add3A_395 = arith.addi %select_n3A_392, %add3A_394 : vector<16xi32>
          %min3A_396 = arith.constant 511 : i32
          %min3A_397 = vector.broadcast %min3A_396 : i32 to vector<16xi32>
          %min3A_398 = arith.minsi %add3A_395, %min3A_397 : vector<16xi32>
          %gather3A_399 = tpu.vector_load_idx %arg6[%min3A_398] : memref<528xi32, #tpu.memory_space<vmem>>[vector<16xi32>], vector<16xi32>,
          %le3A_400 = arith.cmpi sle, %gather3A_399, %add3A_329 : vector<16xi32>
          %select_n3A_401 = arith.select %le3A_400, %min3A_398, %select_n3A_392 : vector<16xi1>, vector<16xi32>
          %add3A_402 = arith.constant 1 : i32
          %add3A_403 = vector.broadcast %add3A_402 : i32 to vector<16xi32>
          %add3A_404 = arith.addi %select_n3A_401, %add3A_403 : vector<16xi32>
          %min3A_405 = arith.constant 511 : i32
          %min3A_406 = vector.broadcast %min3A_405 : i32 to vector<16xi32>
          %min3A_407 = arith.minsi %add3A_404, %min3A_406 : vector<16xi32>
          %gather3A_408 = tpu.vector_load_idx %arg6[%min3A_407] : memref<528xi32, #tpu.memory_space<vmem>>[vector<16xi32>], vector<16xi32>,
          %le3A_409 = arith.cmpi sle, %gather3A_408, %add3A_329 : vector<16xi32>
          %select_n3A_410 = arith.select %le3A_409, %min3A_407, %select_n3A_401 : vector<16xi1>, vector<16xi32>
          %ge3A_411 = vector.broadcast %max3A : i32 to vector<16xi32>
          %ge3A_412 = arith.cmpi sge, %add3A_329, %ge3A_411 : vector<16xi32>
          %lt3A_413 = vector.broadcast %select_n3A : i32 to vector<16xi32>
          %lt3A_414 = arith.cmpi slt, %add3A_329, %lt3A_413 : vector<16xi32>
          %and3A_415 = arith.andi %ge3A_412, %lt3A_414 : vector<16xi1>
          %jit3A_416 = arith.constant 512 : i32
          %broadcast_in_dim3A_417 = vector.broadcast %jit3A_416 : i32 to vector<16xi32>
          %select_n3A_418 = arith.select %and3A_415, %select_n3A_410, %broadcast_in_dim3A_417 : vector<16xi1>, vector<16xi32>
          %add3A_419 = vector.broadcast %mul3A_4 : i32 to vector<16xi32>
          %add3A_420 = arith.addi %select_n3A_418, %add3A_419 : vector<16xi32>
          %mul3A_421 = arith.constant 16 : i32
          %mul3A_422 = arith.muli %scan3A_324, %mul3A_421 : i32
          %swap3A = arith.index_cast %mul3A_422 : i32 to index
          %swap3A_423 = tpu.vector_load %arg14[%swap3A] {strides = array<i32>} : memref<128xi32, #tpu.memory_space<vmem>>, vector<16xi32>,
          tpu.vector_store %arg14[%swap3A], %add3A_420 {strides = array<i32>} : memref<128xi32, #tpu.memory_space<vmem>>, vector<16xi32>,
        }
        %scan3A_309 = arith.constant 8 : i32
        %dma_start3A_310 = arith.constant 0 : i32
        %dma_start3A_311 = arith.constant 0 : i32
        %dma_start3A_312 = tpu.memref_slice %arg16[%dma_start3A_310, %dma_start3A_311] : memref<8208x128xf32, #tpu.memory_space<vmem_shared>> -> memref<8208x128xf32, #tpu.memory_space<vmem_shared>>
        tpu.enqueue_indirect_dma source(%arg11 : memref<128x128xf32, #tpu.memory_space<vmem>>) target(%dma_start3A_312 : memref<8208x128xf32, #tpu.memory_space<vmem_shared>>) offsets(%arg14 : memref<128xi32, #tpu.memory_space<vmem>>) semaphore(%arg21 : memref<!tpu.dma_semaphore, #tpu.memory_space<semaphore_mem>>) {add = true}
        %ge3A_313 = arith.constant 1 : i32
        %ge3A_314 = arith.cmpi sge, %add3A_278, %ge3A_313 : i32
        %convert_element_type3A_315 = arith.extui %ge3A_314 : i1 to i32
        %cond3A_316 = arith.constant 0 : i32
        %cond3A_317 = arith.cmpi ne, %convert_element_type3A_315, %cond3A_316 : i32
        scf.if %cond3A_317 {
          %dma_wait3A_324 = arith.constant 0 : i32
          %dma_wait3A_325 = arith.constant 0 : i32
          %dma_wait3A_326 = tpu.memref_slice %arg16[%dma_wait3A_324, %dma_wait3A_325] : memref<8208x128xf32, #tpu.memory_space<vmem_shared>> -> memref<8208x128xf32, #tpu.memory_space<vmem_shared>>
          tpu.wait_indirect_dma semaphore(%arg20 : memref<!tpu.dma_semaphore, #tpu.memory_space<semaphore_mem>>) src(%arg10 : memref<128x128xf32, #tpu.memory_space<vmem>>) dst(%dma_wait3A_326 : memref<8208x128xf32, #tpu.memory_space<vmem_shared>>)
        } else {
        }
        %add3A_318 = arith.constant 2 : i32
        %add3A_319 = arith.addi %add3A_278, %add3A_318 : i32
        %lt3A_320 = arith.cmpi slt, %add3A_319, %select_n3A_61 : i32
        %convert_element_type3A_321 = arith.extui %lt3A_320 : i1 to i32
        %cond3A_322 = arith.constant 0 : i32
        %cond3A_323 = arith.cmpi ne, %convert_element_type3A_321, %cond3A_322 : i32
        scf.if %cond3A_323 {
          %mul3A_324 = arith.constant 128 : i32
          %mul3A_325 = arith.muli %add3A_319, %mul3A_324 : i32
          %add3A_326 = arith.addi %mul3A_32, %mul3A_325 : i32
          %min3A_327 = arith.constant 819072 : i32
          %min3A_328 = arith.minsi %add3A_326, %min3A_327 : i32
          %dma_wait3A_329 = tpu.memref_slice %arg2[%min3A_328] : memref<819200xi32, #tpu.memory_space<hbm>> -> memref<128xi32, #tpu.memory_space<hbm>>
          %dma_wait3A_330 = tpu.memref_slice %arg2[%min3A_328] : memref<819200xi32, #tpu.memory_space<hbm>> -> memref<128xi32, #tpu.memory_space<hbm>>
          tpu.wait_dma2 semaphore(%arg23 : memref<!tpu.dma_semaphore, #tpu.memory_space<semaphore_mem>>) src(%dma_wait3A_330 : memref<128xi32, #tpu.memory_space<hbm>>) dst(%arg7 : memref<128xi32, #tpu.memory_space<vmem>>)
          %dma_start3A_331 = arith.constant 0 : i32
          %dma_start3A_332 = arith.constant 0 : i32
          %dma_start3A_333 = tpu.memref_slice %arg4[%dma_start3A_331, %dma_start3A_332] : memref<1000000x128xf32, #tpu.memory_space<hbm>> -> memref<1000000x128xf32, #tpu.memory_space<hbm>>
          tpu.enqueue_indirect_dma source(%dma_start3A_333 : memref<1000000x128xf32, #tpu.memory_space<hbm>>) target(%arg10 : memref<128x128xf32, #tpu.memory_space<vmem>>) offsets(%arg7 : memref<128xi32, #tpu.memory_space<vmem>>) semaphore(%arg17 : memref<!tpu.dma_semaphore, #tpu.memory_space<semaphore_mem>>)
        } else {
        }
      } else {
      }
      %mul3A_283 = arith.constant 3 : i32
      %mul3A_284 = arith.muli %mul3A_283, %while3A_266 : i32
      %add3A_285 = arith.constant 2 : i32
      %add3A_286 = arith.addi %mul3A_284, %add3A_285 : i32
      %lt3A_287 = arith.cmpi slt, %add3A_286, %select_n3A_61 : i32
      %convert_element_type3A_288 = arith.extui %lt3A_287 : i1 to i32
      %cond3A_289 = arith.constant 0 : i32
      %cond3A_290 = arith.cmpi ne, %convert_element_type3A_288, %cond3A_289 : i32
      scf.if %cond3A_290 {
        %dma_wait3A_291 = arith.constant 0 : i32
        %dma_wait3A_292 = arith.constant 0 : i32
        %dma_wait3A_293 = tpu.memref_slice %arg4[%dma_wait3A_291, %dma_wait3A_292] : memref<1000000x128xf32, #tpu.memory_space<hbm>> -> memref<1000000x128xf32, #tpu.memory_space<hbm>>
        tpu.wait_indirect_dma semaphore(%arg19 : memref<!tpu.dma_semaphore, #tpu.memory_space<semaphore_mem>>) src(%dma_wait3A_293 : memref<1000000x128xf32, #tpu.memory_space<hbm>>) dst(%arg12 : memref<128x128xf32, #tpu.memory_space<vmem>>)
        %add3A_294 = arith.constant 3 : i32
        %add3A_295 = arith.addi %add3A_286, %add3A_294 : i32
        %lt3A_296 = arith.cmpi slt, %add3A_295, %select_n3A_61 : i32
        %convert_element_type3A_297 = arith.extui %lt3A_296 : i1 to i32
        %cond3A_298 = arith.constant 0 : i32
        %cond3A_299 = arith.cmpi ne, %convert_element_type3A_297, %cond3A_298 : i32
        scf.if %cond3A_299 {
          %mul3A_324 = arith.constant 128 : i32
          %mul3A_325 = arith.muli %add3A_295, %mul3A_324 : i32
          %add3A_326 = arith.addi %mul3A_32, %mul3A_325 : i32
          %min3A_327 = arith.constant 819072 : i32
          %min3A_328 = arith.minsi %add3A_326, %min3A_327 : i32
          %dma_start3A_329 = tpu.memref_slice %arg2[%min3A_328] : memref<819200xi32, #tpu.memory_space<hbm>> -> memref<128xi32, #tpu.memory_space<hbm>>
          %dma_start3A_330 = tpu.memref_slice %arg2[%min3A_328] : memref<819200xi32, #tpu.memory_space<hbm>> -> memref<128xi32, #tpu.memory_space<hbm>>
          tpu.enqueue_dma source(%dma_start3A_330 : memref<128xi32, #tpu.memory_space<hbm>>) target(%arg9 : memref<128xi32, #tpu.memory_space<vmem>>) target_semaphore(%arg25 : memref<!tpu.dma_semaphore, #tpu.memory_space<semaphore_mem>>)
        } else {
        }
        %mul3A_300 = arith.constant 128 : i32
        %mul3A_301 = arith.muli %add3A_286, %mul3A_300 : i32
        %add3A_302 = arith.addi %mul3A_32, %mul3A_301 : i32
        %min3A = arith.constant 819072 : i32
        %min3A_303 = arith.minsi %add3A_302, %min3A : i32
        %max3A = arith.maxsi %add3A_302, %squeeze3A : i32
        %scan3A_304 = arith.constant 0 : i32
        %scan3A_305 = arith.constant 0 : i32
        %scan3A_306 = arith.constant 8 : i32
        %scan3A_307 = arith.addi %scan3A_305, %scan3A_306 : i32
        %scan3A_308 = arith.constant 1 : i32
        scf.for %scan3A_324 = %scan3A_305 to %scan3A_307 step %scan3A_308  : i32 {
          %mul3A_325 = arith.constant 16 : i32
          %mul3A_326 = arith.muli %scan3A_324, %mul3A_325 : i32
          %add3A_327 = arith.addi %min3A_303, %mul3A_326 : i32
          %add3A_328 = vector.broadcast %add3A_327 : i32 to vector<16xi32>
          %add3A_329 = arith.addi %add3A_328, %iota3A : vector<16xi32>
          %broadcast_in_dim3A_330 = arith.constant 0 : i32
          %broadcast_in_dim3A_331 = vector.broadcast %broadcast_in_dim3A_330 : i32 to vector<16xi32>
          %add3A_332 = arith.constant 256 : i32
          %add3A_333 = vector.broadcast %add3A_332 : i32 to vector<16xi32>
          %add3A_334 = arith.addi %broadcast_in_dim3A_331, %add3A_333 : vector<16xi32>
          %min3A_335 = arith.constant 511 : i32
          %min3A_336 = vector.broadcast %min3A_335 : i32 to vector<16xi32>
          %min3A_337 = arith.minsi %add3A_334, %min3A_336 : vector<16xi32>
          %gather3A = tpu.vector_load_idx %arg6[%min3A_337] : memref<528xi32, #tpu.memory_space<vmem>>[vector<16xi32>], vector<16xi32>,
          %le3A = arith.cmpi sle, %gather3A, %add3A_329 : vector<16xi32>
          %select_n3A_338 = arith.select %le3A, %min3A_337, %broadcast_in_dim3A_331 : vector<16xi1>, vector<16xi32>
          %add3A_339 = arith.constant 128 : i32
          %add3A_340 = vector.broadcast %add3A_339 : i32 to vector<16xi32>
          %add3A_341 = arith.addi %select_n3A_338, %add3A_340 : vector<16xi32>
          %min3A_342 = arith.constant 511 : i32
          %min3A_343 = vector.broadcast %min3A_342 : i32 to vector<16xi32>
          %min3A_344 = arith.minsi %add3A_341, %min3A_343 : vector<16xi32>
          %gather3A_345 = tpu.vector_load_idx %arg6[%min3A_344] : memref<528xi32, #tpu.memory_space<vmem>>[vector<16xi32>], vector<16xi32>,
          %le3A_346 = arith.cmpi sle, %gather3A_345, %add3A_329 : vector<16xi32>
          %select_n3A_347 = arith.select %le3A_346, %min3A_344, %select_n3A_338 : vector<16xi1>, vector<16xi32>
          %add3A_348 = arith.constant 64 : i32
          %add3A_349 = vector.broadcast %add3A_348 : i32 to vector<16xi32>
          %add3A_350 = arith.addi %select_n3A_347, %add3A_349 : vector<16xi32>
          %min3A_351 = arith.constant 511 : i32
          %min3A_352 = vector.broadcast %min3A_351 : i32 to vector<16xi32>
          %min3A_353 = arith.minsi %add3A_350, %min3A_352 : vector<16xi32>
          %gather3A_354 = tpu.vector_load_idx %arg6[%min3A_353] : memref<528xi32, #tpu.memory_space<vmem>>[vector<16xi32>], vector<16xi32>,
          %le3A_355 = arith.cmpi sle, %gather3A_354, %add3A_329 : vector<16xi32>
          %select_n3A_356 = arith.select %le3A_355, %min3A_353, %select_n3A_347 : vector<16xi1>, vector<16xi32>
          %add3A_357 = arith.constant 32 : i32
          %add3A_358 = vector.broadcast %add3A_357 : i32 to vector<16xi32>
          %add3A_359 = arith.addi %select_n3A_356, %add3A_358 : vector<16xi32>
          %min3A_360 = arith.constant 511 : i32
          %min3A_361 = vector.broadcast %min3A_360 : i32 to vector<16xi32>
          %min3A_362 = arith.minsi %add3A_359, %min3A_361 : vector<16xi32>
          %gather3A_363 = tpu.vector_load_idx %arg6[%min3A_362] : memref<528xi32, #tpu.memory_space<vmem>>[vector<16xi32>], vector<16xi32>,
          %le3A_364 = arith.cmpi sle, %gather3A_363, %add3A_329 : vector<16xi32>
          %select_n3A_365 = arith.select %le3A_364, %min3A_362, %select_n3A_356 : vector<16xi1>, vector<16xi32>
          %add3A_366 = arith.constant 16 : i32
          %add3A_367 = vector.broadcast %add3A_366 : i32 to vector<16xi32>
          %add3A_368 = arith.addi %select_n3A_365, %add3A_367 : vector<16xi32>
          %min3A_369 = arith.constant 511 : i32
          %min3A_370 = vector.broadcast %min3A_369 : i32 to vector<16xi32>
          %min3A_371 = arith.minsi %add3A_368, %min3A_370 : vector<16xi32>
          %gather3A_372 = tpu.vector_load_idx %arg6[%min3A_371] : memref<528xi32, #tpu.memory_space<vmem>>[vector<16xi32>], vector<16xi32>,
          %le3A_373 = arith.cmpi sle, %gather3A_372, %add3A_329 : vector<16xi32>
          %select_n3A_374 = arith.select %le3A_373, %min3A_371, %select_n3A_365 : vector<16xi1>, vector<16xi32>
          %add3A_375 = arith.constant 8 : i32
          %add3A_376 = vector.broadcast %add3A_375 : i32 to vector<16xi32>
          %add3A_377 = arith.addi %select_n3A_374, %add3A_376 : vector<16xi32>
          %min3A_378 = arith.constant 511 : i32
          %min3A_379 = vector.broadcast %min3A_378 : i32 to vector<16xi32>
          %min3A_380 = arith.minsi %add3A_377, %min3A_379 : vector<16xi32>
          %gather3A_381 = tpu.vector_load_idx %arg6[%min3A_380] : memref<528xi32, #tpu.memory_space<vmem>>[vector<16xi32>], vector<16xi32>,
          %le3A_382 = arith.cmpi sle, %gather3A_381, %add3A_329 : vector<16xi32>
          %select_n3A_383 = arith.select %le3A_382, %min3A_380, %select_n3A_374 : vector<16xi1>, vector<16xi32>
          %add3A_384 = arith.constant 4 : i32
          %add3A_385 = vector.broadcast %add3A_384 : i32 to vector<16xi32>
          %add3A_386 = arith.addi %select_n3A_383, %add3A_385 : vector<16xi32>
          %min3A_387 = arith.constant 511 : i32
          %min3A_388 = vector.broadcast %min3A_387 : i32 to vector<16xi32>
          %min3A_389 = arith.minsi %add3A_386, %min3A_388 : vector<16xi32>
          %gather3A_390 = tpu.vector_load_idx %arg6[%min3A_389] : memref<528xi32, #tpu.memory_space<vmem>>[vector<16xi32>], vector<16xi32>,
          %le3A_391 = arith.cmpi sle, %gather3A_390, %add3A_329 : vector<16xi32>
          %select_n3A_392 = arith.select %le3A_391, %min3A_389, %select_n3A_383 : vector<16xi1>, vector<16xi32>
          %add3A_393 = arith.constant 2 : i32
          %add3A_394 = vector.broadcast %add3A_393 : i32 to vector<16xi32>
          %add3A_395 = arith.addi %select_n3A_392, %add3A_394 : vector<16xi32>
          %min3A_396 = arith.constant 511 : i32
          %min3A_397 = vector.broadcast %min3A_396 : i32 to vector<16xi32>
          %min3A_398 = arith.minsi %add3A_395, %min3A_397 : vector<16xi32>
          %gather3A_399 = tpu.vector_load_idx %arg6[%min3A_398] : memref<528xi32, #tpu.memory_space<vmem>>[vector<16xi32>], vector<16xi32>,
          %le3A_400 = arith.cmpi sle, %gather3A_399, %add3A_329 : vector<16xi32>
          %select_n3A_401 = arith.select %le3A_400, %min3A_398, %select_n3A_392 : vector<16xi1>, vector<16xi32>
          %add3A_402 = arith.constant 1 : i32
          %add3A_403 = vector.broadcast %add3A_402 : i32 to vector<16xi32>
          %add3A_404 = arith.addi %select_n3A_401, %add3A_403 : vector<16xi32>
          %min3A_405 = arith.constant 511 : i32
          %min3A_406 = vector.broadcast %min3A_405 : i32 to vector<16xi32>
          %min3A_407 = arith.minsi %add3A_404, %min3A_406 : vector<16xi32>
          %gather3A_408 = tpu.vector_load_idx %arg6[%min3A_407] : memref<528xi32, #tpu.memory_space<vmem>>[vector<16xi32>], vector<16xi32>,
          %le3A_409 = arith.cmpi sle, %gather3A_408, %add3A_329 : vector<16xi32>
          %select_n3A_410 = arith.select %le3A_409, %min3A_407, %select_n3A_401 : vector<16xi1>, vector<16xi32>
          %ge3A_411 = vector.broadcast %max3A : i32 to vector<16xi32>
          %ge3A_412 = arith.cmpi sge, %add3A_329, %ge3A_411 : vector<16xi32>
          %lt3A_413 = vector.broadcast %select_n3A : i32 to vector<16xi32>
          %lt3A_414 = arith.cmpi slt, %add3A_329, %lt3A_413 : vector<16xi32>
          %and3A_415 = arith.andi %ge3A_412, %lt3A_414 : vector<16xi1>
          %jit3A_416 = arith.constant 512 : i32
          %broadcast_in_dim3A_417 = vector.broadcast %jit3A_416 : i32 to vector<16xi32>
          %select_n3A_418 = arith.select %and3A_415, %select_n3A_410, %broadcast_in_dim3A_417 : vector<16xi1>, vector<16xi32>
          %add3A_419 = vector.broadcast %mul3A_4 : i32 to vector<16xi32>
          %add3A_420 = arith.addi %select_n3A_418, %add3A_419 : vector<16xi32>
          %mul3A_421 = arith.constant 16 : i32
          %mul3A_422 = arith.muli %scan3A_324, %mul3A_421 : i32
          %swap3A = arith.index_cast %mul3A_422 : i32 to index
          %swap3A_423 = tpu.vector_load %arg15[%swap3A] {strides = array<i32>} : memref<128xi32, #tpu.memory_space<vmem>>, vector<16xi32>,
          tpu.vector_store %arg15[%swap3A], %add3A_420 {strides = array<i32>} : memref<128xi32, #tpu.memory_space<vmem>>, vector<16xi32>,
        }
        %scan3A_309 = arith.constant 8 : i32
        %dma_start3A_310 = arith.constant 0 : i32
        %dma_start3A_311 = arith.constant 0 : i32
        %dma_start3A_312 = tpu.memref_slice %arg16[%dma_start3A_310, %dma_start3A_311] : memref<8208x128xf32, #tpu.memory_space<vmem_shared>> -> memref<8208x128xf32, #tpu.memory_space<vmem_shared>>
        tpu.enqueue_indirect_dma source(%arg12 : memref<128x128xf32, #tpu.memory_space<vmem>>) target(%dma_start3A_312 : memref<8208x128xf32, #tpu.memory_space<vmem_shared>>) offsets(%arg15 : memref<128xi32, #tpu.memory_space<vmem>>) semaphore(%arg22 : memref<!tpu.dma_semaphore, #tpu.memory_space<semaphore_mem>>) {add = true}
        %ge3A_313 = arith.constant 1 : i32
        %ge3A_314 = arith.cmpi sge, %add3A_286, %ge3A_313 : i32
        %convert_element_type3A_315 = arith.extui %ge3A_314 : i1 to i32
        %cond3A_316 = arith.constant 0 : i32
        %cond3A_317 = arith.cmpi ne, %convert_element_type3A_315, %cond3A_316 : i32
        scf.if %cond3A_317 {
          %dma_wait3A_324 = arith.constant 0 : i32
          %dma_wait3A_325 = arith.constant 0 : i32
          %dma_wait3A_326 = tpu.memref_slice %arg16[%dma_wait3A_324, %dma_wait3A_325] : memref<8208x128xf32, #tpu.memory_space<vmem_shared>> -> memref<8208x128xf32, #tpu.memory_space<vmem_shared>>
          tpu.wait_indirect_dma semaphore(%arg21 : memref<!tpu.dma_semaphore, #tpu.memory_space<semaphore_mem>>) src(%arg11 : memref<128x128xf32, #tpu.memory_space<vmem>>) dst(%dma_wait3A_326 : memref<8208x128xf32, #tpu.memory_space<vmem_shared>>)
        } else {
        }
        %add3A_318 = arith.constant 2 : i32
        %add3A_319 = arith.addi %add3A_286, %add3A_318 : i32
        %lt3A_320 = arith.cmpi slt, %add3A_319, %select_n3A_61 : i32
        %convert_element_type3A_321 = arith.extui %lt3A_320 : i1 to i32
        %cond3A_322 = arith.constant 0 : i32
        %cond3A_323 = arith.cmpi ne, %convert_element_type3A_321, %cond3A_322 : i32
        scf.if %cond3A_323 {
          %mul3A_324 = arith.constant 128 : i32
          %mul3A_325 = arith.muli %add3A_319, %mul3A_324 : i32
          %add3A_326 = arith.addi %mul3A_32, %mul3A_325 : i32
          %min3A_327 = arith.constant 819072 : i32
          %min3A_328 = arith.minsi %add3A_326, %min3A_327 : i32
          %dma_wait3A_329 = tpu.memref_slice %arg2[%min3A_328] : memref<819200xi32, #tpu.memory_space<hbm>> -> memref<128xi32, #tpu.memory_space<hbm>>
          %dma_wait3A_330 = tpu.memref_slice %arg2[%min3A_328] : memref<819200xi32, #tpu.memory_space<hbm>> -> memref<128xi32, #tpu.memory_space<hbm>>
          tpu.wait_dma2 semaphore(%arg24 : memref<!tpu.dma_semaphore, #tpu.memory_space<semaphore_mem>>) src(%dma_wait3A_330 : memref<128xi32, #tpu.memory_space<hbm>>) dst(%arg8 : memref<128xi32, #tpu.memory_space<vmem>>)
          %dma_start3A_331 = arith.constant 0 : i32
          %dma_start3A_332 = arith.constant 0 : i32
          %dma_start3A_333 = tpu.memref_slice %arg4[%dma_start3A_331, %dma_start3A_332] : memref<1000000x128xf32, #tpu.memory_space<hbm>> -> memref<1000000x128xf32, #tpu.memory_space<hbm>>
          tpu.enqueue_indirect_dma source(%dma_start3A_333 : memref<1000000x128xf32, #tpu.memory_space<hbm>>) target(%arg11 : memref<128x128xf32, #tpu.memory_space<vmem>>) offsets(%arg8 : memref<128xi32, #tpu.memory_space<vmem>>) semaphore(%arg18 : memref<!tpu.dma_semaphore, #tpu.memory_space<semaphore_mem>>)
        } else {
        }
      } else {
      }
    }
    %while3A_188 = arith.constant 1 : i32
    scf.for %while3A_266 = %while3A_186 to %while3A_182 step %while3A_188  : i32 {
      %mul3A_267 = arith.constant 3 : i32
      %mul3A_268 = arith.muli %mul3A_267, %while3A_266 : i32
      %add3A_269 = arith.constant 0 : i32
      %add3A_270 = arith.addi %mul3A_268, %add3A_269 : i32
      %lt3A_271 = arith.cmpi slt, %add3A_270, %select_n3A_61 : i32
      %convert_element_type3A_272 = arith.extui %lt3A_271 : i1 to i32
      %cond3A_273 = arith.constant 0 : i32
      %cond3A_274 = arith.cmpi ne, %convert_element_type3A_272, %cond3A_273 : i32
      scf.if %cond3A_274 {
        %dma_wait3A_291 = arith.constant 0 : i32
        %dma_wait3A_292 = arith.constant 0 : i32
        %dma_wait3A_293 = tpu.memref_slice %arg4[%dma_wait3A_291, %dma_wait3A_292] : memref<1000000x128xf32, #tpu.memory_space<hbm>> -> memref<1000000x128xf32, #tpu.memory_space<hbm>>
        tpu.wait_indirect_dma semaphore(%arg17 : memref<!tpu.dma_semaphore, #tpu.memory_space<semaphore_mem>>) src(%dma_wait3A_293 : memref<1000000x128xf32, #tpu.memory_space<hbm>>) dst(%arg10 : memref<128x128xf32, #tpu.memory_space<vmem>>)
        %add3A_294 = arith.constant 3 : i32
        %add3A_295 = arith.addi %add3A_270, %add3A_294 : i32
        %lt3A_296 = arith.cmpi slt, %add3A_295, %select_n3A_61 : i32
        %convert_element_type3A_297 = arith.extui %lt3A_296 : i1 to i32
        %cond3A_298 = arith.constant 0 : i32
        %cond3A_299 = arith.cmpi ne, %convert_element_type3A_297, %cond3A_298 : i32
        scf.if %cond3A_299 {
          %mul3A_324 = arith.constant 128 : i32
          %mul3A_325 = arith.muli %add3A_295, %mul3A_324 : i32
          %add3A_326 = arith.addi %mul3A_32, %mul3A_325 : i32
          %min3A_327 = arith.constant 819072 : i32
          %min3A_328 = arith.minsi %add3A_326, %min3A_327 : i32
          %dma_start3A_329 = tpu.memref_slice %arg2[%min3A_328] : memref<819200xi32, #tpu.memory_space<hbm>> -> memref<128xi32, #tpu.memory_space<hbm>>
          %dma_start3A_330 = tpu.memref_slice %arg2[%min3A_328] : memref<819200xi32, #tpu.memory_space<hbm>> -> memref<128xi32, #tpu.memory_space<hbm>>
          tpu.enqueue_dma source(%dma_start3A_330 : memref<128xi32, #tpu.memory_space<hbm>>) target(%arg7 : memref<128xi32, #tpu.memory_space<vmem>>) target_semaphore(%arg23 : memref<!tpu.dma_semaphore, #tpu.memory_space<semaphore_mem>>)
        } else {
        }
        %mul3A_300 = arith.constant 128 : i32
        %mul3A_301 = arith.muli %add3A_270, %mul3A_300 : i32
        %add3A_302 = arith.addi %mul3A_32, %mul3A_301 : i32
        %min3A = arith.constant 819072 : i32
        %min3A_303 = arith.minsi %add3A_302, %min3A : i32
        %max3A = arith.maxsi %add3A_302, %squeeze3A : i32
        %scan3A_304 = arith.constant 0 : i32
        %scan3A_305 = arith.constant 0 : i32
        %scan3A_306 = arith.constant 8 : i32
        %scan3A_307 = arith.addi %scan3A_305, %scan3A_306 : i32
        %scan3A_308 = arith.constant 1 : i32
        scf.for %scan3A_324 = %scan3A_305 to %scan3A_307 step %scan3A_308  : i32 {
          %mul3A_325 = arith.constant 16 : i32
          %mul3A_326 = arith.muli %scan3A_324, %mul3A_325 : i32
          %add3A_327 = arith.addi %min3A_303, %mul3A_326 : i32
          %add3A_328 = vector.broadcast %add3A_327 : i32 to vector<16xi32>
          %add3A_329 = arith.addi %add3A_328, %iota3A : vector<16xi32>
          %broadcast_in_dim3A_330 = arith.constant 0 : i32
          %broadcast_in_dim3A_331 = vector.broadcast %broadcast_in_dim3A_330 : i32 to vector<16xi32>
          %add3A_332 = arith.constant 256 : i32
          %add3A_333 = vector.broadcast %add3A_332 : i32 to vector<16xi32>
          %add3A_334 = arith.addi %broadcast_in_dim3A_331, %add3A_333 : vector<16xi32>
          %min3A_335 = arith.constant 511 : i32
          %min3A_336 = vector.broadcast %min3A_335 : i32 to vector<16xi32>
          %min3A_337 = arith.minsi %add3A_334, %min3A_336 : vector<16xi32>
          %gather3A = tpu.vector_load_idx %arg6[%min3A_337] : memref<528xi32, #tpu.memory_space<vmem>>[vector<16xi32>], vector<16xi32>,
          %le3A = arith.cmpi sle, %gather3A, %add3A_329 : vector<16xi32>
          %select_n3A_338 = arith.select %le3A, %min3A_337, %broadcast_in_dim3A_331 : vector<16xi1>, vector<16xi32>
          %add3A_339 = arith.constant 128 : i32
          %add3A_340 = vector.broadcast %add3A_339 : i32 to vector<16xi32>
          %add3A_341 = arith.addi %select_n3A_338, %add3A_340 : vector<16xi32>
          %min3A_342 = arith.constant 511 : i32
          %min3A_343 = vector.broadcast %min3A_342 : i32 to vector<16xi32>
          %min3A_344 = arith.minsi %add3A_341, %min3A_343 : vector<16xi32>
          %gather3A_345 = tpu.vector_load_idx %arg6[%min3A_344] : memref<528xi32, #tpu.memory_space<vmem>>[vector<16xi32>], vector<16xi32>,
          %le3A_346 = arith.cmpi sle, %gather3A_345, %add3A_329 : vector<16xi32>
          %select_n3A_347 = arith.select %le3A_346, %min3A_344, %select_n3A_338 : vector<16xi1>, vector<16xi32>
          %add3A_348 = arith.constant 64 : i32
          %add3A_349 = vector.broadcast %add3A_348 : i32 to vector<16xi32>
          %add3A_350 = arith.addi %select_n3A_347, %add3A_349 : vector<16xi32>
          %min3A_351 = arith.constant 511 : i32
          %min3A_352 = vector.broadcast %min3A_351 : i32 to vector<16xi32>
          %min3A_353 = arith.minsi %add3A_350, %min3A_352 : vector<16xi32>
          %gather3A_354 = tpu.vector_load_idx %arg6[%min3A_353] : memref<528xi32, #tpu.memory_space<vmem>>[vector<16xi32>], vector<16xi32>,
          %le3A_355 = arith.cmpi sle, %gather3A_354, %add3A_329 : vector<16xi32>
          %select_n3A_356 = arith.select %le3A_355, %min3A_353, %select_n3A_347 : vector<16xi1>, vector<16xi32>
          %add3A_357 = arith.constant 32 : i32
          %add3A_358 = vector.broadcast %add3A_357 : i32 to vector<16xi32>
          %add3A_359 = arith.addi %select_n3A_356, %add3A_358 : vector<16xi32>
          %min3A_360 = arith.constant 511 : i32
          %min3A_361 = vector.broadcast %min3A_360 : i32 to vector<16xi32>
          %min3A_362 = arith.minsi %add3A_359, %min3A_361 : vector<16xi32>
          %gather3A_363 = tpu.vector_load_idx %arg6[%min3A_362] : memref<528xi32, #tpu.memory_space<vmem>>[vector<16xi32>], vector<16xi32>,
          %le3A_364 = arith.cmpi sle, %gather3A_363, %add3A_329 : vector<16xi32>
          %select_n3A_365 = arith.select %le3A_364, %min3A_362, %select_n3A_356 : vector<16xi1>, vector<16xi32>
          %add3A_366 = arith.constant 16 : i32
          %add3A_367 = vector.broadcast %add3A_366 : i32 to vector<16xi32>
          %add3A_368 = arith.addi %select_n3A_365, %add3A_367 : vector<16xi32>
          %min3A_369 = arith.constant 511 : i32
          %min3A_370 = vector.broadcast %min3A_369 : i32 to vector<16xi32>
          %min3A_371 = arith.minsi %add3A_368, %min3A_370 : vector<16xi32>
          %gather3A_372 = tpu.vector_load_idx %arg6[%min3A_371] : memref<528xi32, #tpu.memory_space<vmem>>[vector<16xi32>], vector<16xi32>,
          %le3A_373 = arith.cmpi sle, %gather3A_372, %add3A_329 : vector<16xi32>
          %select_n3A_374 = arith.select %le3A_373, %min3A_371, %select_n3A_365 : vector<16xi1>, vector<16xi32>
          %add3A_375 = arith.constant 8 : i32
          %add3A_376 = vector.broadcast %add3A_375 : i32 to vector<16xi32>
          %add3A_377 = arith.addi %select_n3A_374, %add3A_376 : vector<16xi32>
          %min3A_378 = arith.constant 511 : i32
          %min3A_379 = vector.broadcast %min3A_378 : i32 to vector<16xi32>
          %min3A_380 = arith.minsi %add3A_377, %min3A_379 : vector<16xi32>
          %gather3A_381 = tpu.vector_load_idx %arg6[%min3A_380] : memref<528xi32, #tpu.memory_space<vmem>>[vector<16xi32>], vector<16xi32>,
          %le3A_382 = arith.cmpi sle, %gather3A_381, %add3A_329 : vector<16xi32>
          %select_n3A_383 = arith.select %le3A_382, %min3A_380, %select_n3A_374 : vector<16xi1>, vector<16xi32>
          %add3A_384 = arith.constant 4 : i32
          %add3A_385 = vector.broadcast %add3A_384 : i32 to vector<16xi32>
          %add3A_386 = arith.addi %select_n3A_383, %add3A_385 : vector<16xi32>
          %min3A_387 = arith.constant 511 : i32
          %min3A_388 = vector.broadcast %min3A_387 : i32 to vector<16xi32>
          %min3A_389 = arith.minsi %add3A_386, %min3A_388 : vector<16xi32>
          %gather3A_390 = tpu.vector_load_idx %arg6[%min3A_389] : memref<528xi32, #tpu.memory_space<vmem>>[vector<16xi32>], vector<16xi32>,
          %le3A_391 = arith.cmpi sle, %gather3A_390, %add3A_329 : vector<16xi32>
          %select_n3A_392 = arith.select %le3A_391, %min3A_389, %select_n3A_383 : vector<16xi1>, vector<16xi32>
          %add3A_393 = arith.constant 2 : i32
          %add3A_394 = vector.broadcast %add3A_393 : i32 to vector<16xi32>
          %add3A_395 = arith.addi %select_n3A_392, %add3A_394 : vector<16xi32>
          %min3A_396 = arith.constant 511 : i32
          %min3A_397 = vector.broadcast %min3A_396 : i32 to vector<16xi32>
          %min3A_398 = arith.minsi %add3A_395, %min3A_397 : vector<16xi32>
          %gather3A_399 = tpu.vector_load_idx %arg6[%min3A_398] : memref<528xi32, #tpu.memory_space<vmem>>[vector<16xi32>], vector<16xi32>,
          %le3A_400 = arith.cmpi sle, %gather3A_399, %add3A_329 : vector<16xi32>
          %select_n3A_401 = arith.select %le3A_400, %min3A_398, %select_n3A_392 : vector<16xi1>, vector<16xi32>
          %add3A_402 = arith.constant 1 : i32
          %add3A_403 = vector.broadcast %add3A_402 : i32 to vector<16xi32>
          %add3A_404 = arith.addi %select_n3A_401, %add3A_403 : vector<16xi32>
          %min3A_405 = arith.constant 511 : i32
          %min3A_406 = vector.broadcast %min3A_405 : i32 to vector<16xi32>
          %min3A_407 = arith.minsi %add3A_404, %min3A_406 : vector<16xi32>
          %gather3A_408 = tpu.vector_load_idx %arg6[%min3A_407] : memref<528xi32, #tpu.memory_space<vmem>>[vector<16xi32>], vector<16xi32>,
          %le3A_409 = arith.cmpi sle, %gather3A_408, %add3A_329 : vector<16xi32>
          %select_n3A_410 = arith.select %le3A_409, %min3A_407, %select_n3A_401 : vector<16xi1>, vector<16xi32>
          %ge3A_411 = vector.broadcast %max3A : i32 to vector<16xi32>
          %ge3A_412 = arith.cmpi sge, %add3A_329, %ge3A_411 : vector<16xi32>
          %lt3A_413 = vector.broadcast %select_n3A : i32 to vector<16xi32>
          %lt3A_414 = arith.cmpi slt, %add3A_329, %lt3A_413 : vector<16xi32>
          %and3A_415 = arith.andi %ge3A_412, %lt3A_414 : vector<16xi1>
          %jit3A_416 = arith.constant 512 : i32
          %broadcast_in_dim3A_417 = vector.broadcast %jit3A_416 : i32 to vector<16xi32>
          %select_n3A_418 = arith.select %and3A_415, %select_n3A_410, %broadcast_in_dim3A_417 : vector<16xi1>, vector<16xi32>
          %add3A_419 = vector.broadcast %mul3A_4 : i32 to vector<16xi32>
          %add3A_420 = arith.addi %select_n3A_418, %add3A_419 : vector<16xi32>
          %mul3A_421 = arith.constant 16 : i32
          %mul3A_422 = arith.muli %scan3A_324, %mul3A_421 : i32
          %swap3A = arith.index_cast %mul3A_422 : i32 to index
          %swap3A_423 = tpu.vector_load %arg13[%swap3A] {strides = array<i32>} : memref<128xi32, #tpu.memory_space<vmem>>, vector<16xi32>,
          tpu.vector_store %arg13[%swap3A], %add3A_420 {strides = array<i32>} : memref<128xi32, #tpu.memory_space<vmem>>, vector<16xi32>,
        }
        %scan3A_309 = arith.constant 8 : i32
        %dma_start3A_310 = arith.constant 0 : i32
        %dma_start3A_311 = arith.constant 0 : i32
        %dma_start3A_312 = tpu.memref_slice %arg16[%dma_start3A_310, %dma_start3A_311] : memref<8208x128xf32, #tpu.memory_space<vmem_shared>> -> memref<8208x128xf32, #tpu.memory_space<vmem_shared>>
        tpu.enqueue_indirect_dma source(%arg10 : memref<128x128xf32, #tpu.memory_space<vmem>>) target(%dma_start3A_312 : memref<8208x128xf32, #tpu.memory_space<vmem_shared>>) offsets(%arg13 : memref<128xi32, #tpu.memory_space<vmem>>) semaphore(%arg20 : memref<!tpu.dma_semaphore, #tpu.memory_space<semaphore_mem>>) {add = true}
        %ge3A_313 = arith.constant 1 : i32
        %ge3A_314 = arith.cmpi sge, %add3A_270, %ge3A_313 : i32
        %convert_element_type3A_315 = arith.extui %ge3A_314 : i1 to i32
        %cond3A_316 = arith.constant 0 : i32
        %cond3A_317 = arith.cmpi ne, %convert_element_type3A_315, %cond3A_316 : i32
        scf.if %cond3A_317 {
          %dma_wait3A_324 = arith.constant 0 : i32
          %dma_wait3A_325 = arith.constant 0 : i32
          %dma_wait3A_326 = tpu.memref_slice %arg16[%dma_wait3A_324, %dma_wait3A_325] : memref<8208x128xf32, #tpu.memory_space<vmem_shared>> -> memref<8208x128xf32, #tpu.memory_space<vmem_shared>>
          tpu.wait_indirect_dma semaphore(%arg22 : memref<!tpu.dma_semaphore, #tpu.memory_space<semaphore_mem>>) src(%arg12 : memref<128x128xf32, #tpu.memory_space<vmem>>) dst(%dma_wait3A_326 : memref<8208x128xf32, #tpu.memory_space<vmem_shared>>)
        } else {
        }
        %add3A_318 = arith.constant 2 : i32
        %add3A_319 = arith.addi %add3A_270, %add3A_318 : i32
        %lt3A_320 = arith.cmpi slt, %add3A_319, %select_n3A_61 : i32
        %convert_element_type3A_321 = arith.extui %lt3A_320 : i1 to i32
        %cond3A_322 = arith.constant 0 : i32
        %cond3A_323 = arith.cmpi ne, %convert_element_type3A_321, %cond3A_322 : i32
        scf.if %cond3A_323 {
          %mul3A_324 = arith.constant 128 : i32
          %mul3A_325 = arith.muli %add3A_319, %mul3A_324 : i32
          %add3A_326 = arith.addi %mul3A_32, %mul3A_325 : i32
          %min3A_327 = arith.constant 819072 : i32
          %min3A_328 = arith.minsi %add3A_326, %min3A_327 : i32
          %dma_wait3A_329 = tpu.memref_slice %arg2[%min3A_328] : memref<819200xi32, #tpu.memory_space<hbm>> -> memref<128xi32, #tpu.memory_space<hbm>>
          %dma_wait3A_330 = tpu.memref_slice %arg2[%min3A_328] : memref<819200xi32, #tpu.memory_space<hbm>> -> memref<128xi32, #tpu.memory_space<hbm>>
          tpu.wait_dma2 semaphore(%arg25 : memref<!tpu.dma_semaphore, #tpu.memory_space<semaphore_mem>>) src(%dma_wait3A_330 : memref<128xi32, #tpu.memory_space<hbm>>) dst(%arg9 : memref<128xi32, #tpu.memory_space<vmem>>)
          %dma_start3A_331 = arith.constant 0 : i32
          %dma_start3A_332 = arith.constant 0 : i32
          %dma_start3A_333 = tpu.memref_slice %arg4[%dma_start3A_331, %dma_start3A_332] : memref<1000000x128xf32, #tpu.memory_space<hbm>> -> memref<1000000x128xf32, #tpu.memory_space<hbm>>
          tpu.enqueue_indirect_dma source(%dma_start3A_333 : memref<1000000x128xf32, #tpu.memory_space<hbm>>) target(%arg12 : memref<128x128xf32, #tpu.memory_space<vmem>>) offsets(%arg9 : memref<128xi32, #tpu.memory_space<vmem>>) semaphore(%arg19 : memref<!tpu.dma_semaphore, #tpu.memory_space<semaphore_mem>>)
        } else {
        }
      } else {
      }
      %mul3A_275 = arith.constant 3 : i32
      %mul3A_276 = arith.muli %mul3A_275, %while3A_266 : i32
      %add3A_277 = arith.constant 1 : i32
      %add3A_278 = arith.addi %mul3A_276, %add3A_277 : i32
      %lt3A_279 = arith.cmpi slt, %add3A_278, %select_n3A_61 : i32
      %convert_element_type3A_280 = arith.extui %lt3A_279 : i1 to i32
      %cond3A_281 = arith.constant 0 : i32
      %cond3A_282 = arith.cmpi ne, %convert_element_type3A_280, %cond3A_281 : i32
      scf.if %cond3A_282 {
        %dma_wait3A_291 = arith.constant 0 : i32
        %dma_wait3A_292 = arith.constant 0 : i32
        %dma_wait3A_293 = tpu.memref_slice %arg4[%dma_wait3A_291, %dma_wait3A_292] : memref<1000000x128xf32, #tpu.memory_space<hbm>> -> memref<1000000x128xf32, #tpu.memory_space<hbm>>
        tpu.wait_indirect_dma semaphore(%arg18 : memref<!tpu.dma_semaphore, #tpu.memory_space<semaphore_mem>>) src(%dma_wait3A_293 : memref<1000000x128xf32, #tpu.memory_space<hbm>>) dst(%arg11 : memref<128x128xf32, #tpu.memory_space<vmem>>)
        %add3A_294 = arith.constant 3 : i32
        %add3A_295 = arith.addi %add3A_278, %add3A_294 : i32
        %lt3A_296 = arith.cmpi slt, %add3A_295, %select_n3A_61 : i32
        %convert_element_type3A_297 = arith.extui %lt3A_296 : i1 to i32
        %cond3A_298 = arith.constant 0 : i32
        %cond3A_299 = arith.cmpi ne, %convert_element_type3A_297, %cond3A_298 : i32
        scf.if %cond3A_299 {
          %mul3A_324 = arith.constant 128 : i32
          %mul3A_325 = arith.muli %add3A_295, %mul3A_324 : i32
          %add3A_326 = arith.addi %mul3A_32, %mul3A_325 : i32
          %min3A_327 = arith.constant 819072 : i32
          %min3A_328 = arith.minsi %add3A_326, %min3A_327 : i32
          %dma_start3A_329 = tpu.memref_slice %arg2[%min3A_328] : memref<819200xi32, #tpu.memory_space<hbm>> -> memref<128xi32, #tpu.memory_space<hbm>>
          %dma_start3A_330 = tpu.memref_slice %arg2[%min3A_328] : memref<819200xi32, #tpu.memory_space<hbm>> -> memref<128xi32, #tpu.memory_space<hbm>>
          tpu.enqueue_dma source(%dma_start3A_330 : memref<128xi32, #tpu.memory_space<hbm>>) target(%arg8 : memref<128xi32, #tpu.memory_space<vmem>>) target_semaphore(%arg24 : memref<!tpu.dma_semaphore, #tpu.memory_space<semaphore_mem>>)
        } else {
        }
        %mul3A_300 = arith.constant 128 : i32
        %mul3A_301 = arith.muli %add3A_278, %mul3A_300 : i32
        %add3A_302 = arith.addi %mul3A_32, %mul3A_301 : i32
        %min3A = arith.constant 819072 : i32
        %min3A_303 = arith.minsi %add3A_302, %min3A : i32
        %max3A = arith.maxsi %add3A_302, %squeeze3A : i32
        %scan3A_304 = arith.constant 0 : i32
        %scan3A_305 = arith.constant 0 : i32
        %scan3A_306 = arith.constant 8 : i32
        %scan3A_307 = arith.addi %scan3A_305, %scan3A_306 : i32
        %scan3A_308 = arith.constant 1 : i32
        scf.for %scan3A_324 = %scan3A_305 to %scan3A_307 step %scan3A_308  : i32 {
          %mul3A_325 = arith.constant 16 : i32
          %mul3A_326 = arith.muli %scan3A_324, %mul3A_325 : i32
          %add3A_327 = arith.addi %min3A_303, %mul3A_326 : i32
          %add3A_328 = vector.broadcast %add3A_327 : i32 to vector<16xi32>
          %add3A_329 = arith.addi %add3A_328, %iota3A : vector<16xi32>
          %broadcast_in_dim3A_330 = arith.constant 0 : i32
          %broadcast_in_dim3A_331 = vector.broadcast %broadcast_in_dim3A_330 : i32 to vector<16xi32>
          %add3A_332 = arith.constant 256 : i32
          %add3A_333 = vector.broadcast %add3A_332 : i32 to vector<16xi32>
          %add3A_334 = arith.addi %broadcast_in_dim3A_331, %add3A_333 : vector<16xi32>
          %min3A_335 = arith.constant 511 : i32
          %min3A_336 = vector.broadcast %min3A_335 : i32 to vector<16xi32>
          %min3A_337 = arith.minsi %add3A_334, %min3A_336 : vector<16xi32>
          %gather3A = tpu.vector_load_idx %arg6[%min3A_337] : memref<528xi32, #tpu.memory_space<vmem>>[vector<16xi32>], vector<16xi32>,
          %le3A = arith.cmpi sle, %gather3A, %add3A_329 : vector<16xi32>
          %select_n3A_338 = arith.select %le3A, %min3A_337, %broadcast_in_dim3A_331 : vector<16xi1>, vector<16xi32>
          %add3A_339 = arith.constant 128 : i32
          %add3A_340 = vector.broadcast %add3A_339 : i32 to vector<16xi32>
          %add3A_341 = arith.addi %select_n3A_338, %add3A_340 : vector<16xi32>
          %min3A_342 = arith.constant 511 : i32
          %min3A_343 = vector.broadcast %min3A_342 : i32 to vector<16xi32>
          %min3A_344 = arith.minsi %add3A_341, %min3A_343 : vector<16xi32>
          %gather3A_345 = tpu.vector_load_idx %arg6[%min3A_344] : memref<528xi32, #tpu.memory_space<vmem>>[vector<16xi32>], vector<16xi32>,
          %le3A_346 = arith.cmpi sle, %gather3A_345, %add3A_329 : vector<16xi32>
          %select_n3A_347 = arith.select %le3A_346, %min3A_344, %select_n3A_338 : vector<16xi1>, vector<16xi32>
          %add3A_348 = arith.constant 64 : i32
          %add3A_349 = vector.broadcast %add3A_348 : i32 to vector<16xi32>
          %add3A_350 = arith.addi %select_n3A_347, %add3A_349 : vector<16xi32>
          %min3A_351 = arith.constant 511 : i32
          %min3A_352 = vector.broadcast %min3A_351 : i32 to vector<16xi32>
          %min3A_353 = arith.minsi %add3A_350, %min3A_352 : vector<16xi32>
          %gather3A_354 = tpu.vector_load_idx %arg6[%min3A_353] : memref<528xi32, #tpu.memory_space<vmem>>[vector<16xi32>], vector<16xi32>,
          %le3A_355 = arith.cmpi sle, %gather3A_354, %add3A_329 : vector<16xi32>
          %select_n3A_356 = arith.select %le3A_355, %min3A_353, %select_n3A_347 : vector<16xi1>, vector<16xi32>
          %add3A_357 = arith.constant 32 : i32
          %add3A_358 = vector.broadcast %add3A_357 : i32 to vector<16xi32>
          %add3A_359 = arith.addi %select_n3A_356, %add3A_358 : vector<16xi32>
          %min3A_360 = arith.constant 511 : i32
          %min3A_361 = vector.broadcast %min3A_360 : i32 to vector<16xi32>
          %min3A_362 = arith.minsi %add3A_359, %min3A_361 : vector<16xi32>
          %gather3A_363 = tpu.vector_load_idx %arg6[%min3A_362] : memref<528xi32, #tpu.memory_space<vmem>>[vector<16xi32>], vector<16xi32>,
          %le3A_364 = arith.cmpi sle, %gather3A_363, %add3A_329 : vector<16xi32>
          %select_n3A_365 = arith.select %le3A_364, %min3A_362, %select_n3A_356 : vector<16xi1>, vector<16xi32>
          %add3A_366 = arith.constant 16 : i32
          %add3A_367 = vector.broadcast %add3A_366 : i32 to vector<16xi32>
          %add3A_368 = arith.addi %select_n3A_365, %add3A_367 : vector<16xi32>
          %min3A_369 = arith.constant 511 : i32
          %min3A_370 = vector.broadcast %min3A_369 : i32 to vector<16xi32>
          %min3A_371 = arith.minsi %add3A_368, %min3A_370 : vector<16xi32>
          %gather3A_372 = tpu.vector_load_idx %arg6[%min3A_371] : memref<528xi32, #tpu.memory_space<vmem>>[vector<16xi32>], vector<16xi32>,
          %le3A_373 = arith.cmpi sle, %gather3A_372, %add3A_329 : vector<16xi32>
          %select_n3A_374 = arith.select %le3A_373, %min3A_371, %select_n3A_365 : vector<16xi1>, vector<16xi32>
          %add3A_375 = arith.constant 8 : i32
          %add3A_376 = vector.broadcast %add3A_375 : i32 to vector<16xi32>
          %add3A_377 = arith.addi %select_n3A_374, %add3A_376 : vector<16xi32>
          %min3A_378 = arith.constant 511 : i32
          %min3A_379 = vector.broadcast %min3A_378 : i32 to vector<16xi32>
          %min3A_380 = arith.minsi %add3A_377, %min3A_379 : vector<16xi32>
          %gather3A_381 = tpu.vector_load_idx %arg6[%min3A_380] : memref<528xi32, #tpu.memory_space<vmem>>[vector<16xi32>], vector<16xi32>,
          %le3A_382 = arith.cmpi sle, %gather3A_381, %add3A_329 : vector<16xi32>
          %select_n3A_383 = arith.select %le3A_382, %min3A_380, %select_n3A_374 : vector<16xi1>, vector<16xi32>
          %add3A_384 = arith.constant 4 : i32
          %add3A_385 = vector.broadcast %add3A_384 : i32 to vector<16xi32>
          %add3A_386 = arith.addi %select_n3A_383, %add3A_385 : vector<16xi32>
          %min3A_387 = arith.constant 511 : i32
          %min3A_388 = vector.broadcast %min3A_387 : i32 to vector<16xi32>
          %min3A_389 = arith.minsi %add3A_386, %min3A_388 : vector<16xi32>
          %gather3A_390 = tpu.vector_load_idx %arg6[%min3A_389] : memref<528xi32, #tpu.memory_space<vmem>>[vector<16xi32>], vector<16xi32>,
          %le3A_391 = arith.cmpi sle, %gather3A_390, %add3A_329 : vector<16xi32>
          %select_n3A_392 = arith.select %le3A_391, %min3A_389, %select_n3A_383 : vector<16xi1>, vector<16xi32>
          %add3A_393 = arith.constant 2 : i32
          %add3A_394 = vector.broadcast %add3A_393 : i32 to vector<16xi32>
          %add3A_395 = arith.addi %select_n3A_392, %add3A_394 : vector<16xi32>
          %min3A_396 = arith.constant 511 : i32
          %min3A_397 = vector.broadcast %min3A_396 : i32 to vector<16xi32>
          %min3A_398 = arith.minsi %add3A_395, %min3A_397 : vector<16xi32>
          %gather3A_399 = tpu.vector_load_idx %arg6[%min3A_398] : memref<528xi32, #tpu.memory_space<vmem>>[vector<16xi32>], vector<16xi32>,
          %le3A_400 = arith.cmpi sle, %gather3A_399, %add3A_329 : vector<16xi32>
          %select_n3A_401 = arith.select %le3A_400, %min3A_398, %select_n3A_392 : vector<16xi1>, vector<16xi32>
          %add3A_402 = arith.constant 1 : i32
          %add3A_403 = vector.broadcast %add3A_402 : i32 to vector<16xi32>
          %add3A_404 = arith.addi %select_n3A_401, %add3A_403 : vector<16xi32>
          %min3A_405 = arith.constant 511 : i32
          %min3A_406 = vector.broadcast %min3A_405 : i32 to vector<16xi32>
          %min3A_407 = arith.minsi %add3A_404, %min3A_406 : vector<16xi32>
          %gather3A_408 = tpu.vector_load_idx %arg6[%min3A_407] : memref<528xi32, #tpu.memory_space<vmem>>[vector<16xi32>], vector<16xi32>,
          %le3A_409 = arith.cmpi sle, %gather3A_408, %add3A_329 : vector<16xi32>
          %select_n3A_410 = arith.select %le3A_409, %min3A_407, %select_n3A_401 : vector<16xi1>, vector<16xi32>
          %ge3A_411 = vector.broadcast %max3A : i32 to vector<16xi32>
          %ge3A_412 = arith.cmpi sge, %add3A_329, %ge3A_411 : vector<16xi32>
          %lt3A_413 = vector.broadcast %select_n3A : i32 to vector<16xi32>
          %lt3A_414 = arith.cmpi slt, %add3A_329, %lt3A_413 : vector<16xi32>
          %and3A_415 = arith.andi %ge3A_412, %lt3A_414 : vector<16xi1>
          %jit3A_416 = arith.constant 512 : i32
          %broadcast_in_dim3A_417 = vector.broadcast %jit3A_416 : i32 to vector<16xi32>
          %select_n3A_418 = arith.select %and3A_415, %select_n3A_410, %broadcast_in_dim3A_417 : vector<16xi1>, vector<16xi32>
          %add3A_419 = vector.broadcast %mul3A_4 : i32 to vector<16xi32>
          %add3A_420 = arith.addi %select_n3A_418, %add3A_419 : vector<16xi32>
          %mul3A_421 = arith.constant 16 : i32
          %mul3A_422 = arith.muli %scan3A_324, %mul3A_421 : i32
          %swap3A = arith.index_cast %mul3A_422 : i32 to index
          %swap3A_423 = tpu.vector_load %arg14[%swap3A] {strides = array<i32>} : memref<128xi32, #tpu.memory_space<vmem>>, vector<16xi32>,
          tpu.vector_store %arg14[%swap3A], %add3A_420 {strides = array<i32>} : memref<128xi32, #tpu.memory_space<vmem>>, vector<16xi32>,
        }
        %scan3A_309 = arith.constant 8 : i32
        %dma_start3A_310 = arith.constant 0 : i32
        %dma_start3A_311 = arith.constant 0 : i32
        %dma_start3A_312 = tpu.memref_slice %arg16[%dma_start3A_310, %dma_start3A_311] : memref<8208x128xf32, #tpu.memory_space<vmem_shared>> -> memref<8208x128xf32, #tpu.memory_space<vmem_shared>>
        tpu.enqueue_indirect_dma source(%arg11 : memref<128x128xf32, #tpu.memory_space<vmem>>) target(%dma_start3A_312 : memref<8208x128xf32, #tpu.memory_space<vmem_shared>>) offsets(%arg14 : memref<128xi32, #tpu.memory_space<vmem>>) semaphore(%arg21 : memref<!tpu.dma_semaphore, #tpu.memory_space<semaphore_mem>>) {add = true}
        %ge3A_313 = arith.constant 1 : i32
        %ge3A_314 = arith.cmpi sge, %add3A_278, %ge3A_313 : i32
        %convert_element_type3A_315 = arith.extui %ge3A_314 : i1 to i32
        %cond3A_316 = arith.constant 0 : i32
        %cond3A_317 = arith.cmpi ne, %convert_element_type3A_315, %cond3A_316 : i32
        scf.if %cond3A_317 {
          %dma_wait3A_324 = arith.constant 0 : i32
          %dma_wait3A_325 = arith.constant 0 : i32
          %dma_wait3A_326 = tpu.memref_slice %arg16[%dma_wait3A_324, %dma_wait3A_325] : memref<8208x128xf32, #tpu.memory_space<vmem_shared>> -> memref<8208x128xf32, #tpu.memory_space<vmem_shared>>
          tpu.wait_indirect_dma semaphore(%arg20 : memref<!tpu.dma_semaphore, #tpu.memory_space<semaphore_mem>>) src(%arg10 : memref<128x128xf32, #tpu.memory_space<vmem>>) dst(%dma_wait3A_326 : memref<8208x128xf32, #tpu.memory_space<vmem_shared>>)
        } else {
        }
        %add3A_318 = arith.constant 2 : i32
        %add3A_319 = arith.addi %add3A_278, %add3A_318 : i32
        %lt3A_320 = arith.cmpi slt, %add3A_319, %select_n3A_61 : i32
        %convert_element_type3A_321 = arith.extui %lt3A_320 : i1 to i32
        %cond3A_322 = arith.constant 0 : i32
        %cond3A_323 = arith.cmpi ne, %convert_element_type3A_321, %cond3A_322 : i32
        scf.if %cond3A_323 {
          %mul3A_324 = arith.constant 128 : i32
          %mul3A_325 = arith.muli %add3A_319, %mul3A_324 : i32
          %add3A_326 = arith.addi %mul3A_32, %mul3A_325 : i32
          %min3A_327 = arith.constant 819072 : i32
          %min3A_328 = arith.minsi %add3A_326, %min3A_327 : i32
          %dma_wait3A_329 = tpu.memref_slice %arg2[%min3A_328] : memref<819200xi32, #tpu.memory_space<hbm>> -> memref<128xi32, #tpu.memory_space<hbm>>
          %dma_wait3A_330 = tpu.memref_slice %arg2[%min3A_328] : memref<819200xi32, #tpu.memory_space<hbm>> -> memref<128xi32, #tpu.memory_space<hbm>>
          tpu.wait_dma2 semaphore(%arg23 : memref<!tpu.dma_semaphore, #tpu.memory_space<semaphore_mem>>) src(%dma_wait3A_330 : memref<128xi32, #tpu.memory_space<hbm>>) dst(%arg7 : memref<128xi32, #tpu.memory_space<vmem>>)
          %dma_start3A_331 = arith.constant 0 : i32
          %dma_start3A_332 = arith.constant 0 : i32
          %dma_start3A_333 = tpu.memref_slice %arg4[%dma_start3A_331, %dma_start3A_332] : memref<1000000x128xf32, #tpu.memory_space<hbm>> -> memref<1000000x128xf32, #tpu.memory_space<hbm>>
          tpu.enqueue_indirect_dma source(%dma_start3A_333 : memref<1000000x128xf32, #tpu.memory_space<hbm>>) target(%arg10 : memref<128x128xf32, #tpu.memory_space<vmem>>) offsets(%arg7 : memref<128xi32, #tpu.memory_space<vmem>>) semaphore(%arg17 : memref<!tpu.dma_semaphore, #tpu.memory_space<semaphore_mem>>)
        } else {
        }
      } else {
      }
      %mul3A_283 = arith.constant 3 : i32
      %mul3A_284 = arith.muli %mul3A_283, %while3A_266 : i32
      %add3A_285 = arith.constant 2 : i32
      %add3A_286 = arith.addi %mul3A_284, %add3A_285 : i32
      %lt3A_287 = arith.cmpi slt, %add3A_286, %select_n3A_61 : i32
      %convert_element_type3A_288 = arith.extui %lt3A_287 : i1 to i32
      %cond3A_289 = arith.constant 0 : i32
      %cond3A_290 = arith.cmpi ne, %convert_element_type3A_288, %cond3A_289 : i32
      scf.if %cond3A_290 {
        %dma_wait3A_291 = arith.constant 0 : i32
        %dma_wait3A_292 = arith.constant 0 : i32
        %dma_wait3A_293 = tpu.memref_slice %arg4[%dma_wait3A_291, %dma_wait3A_292] : memref<1000000x128xf32, #tpu.memory_space<hbm>> -> memref<1000000x128xf32, #tpu.memory_space<hbm>>
        tpu.wait_indirect_dma semaphore(%arg19 : memref<!tpu.dma_semaphore, #tpu.memory_space<semaphore_mem>>) src(%dma_wait3A_293 : memref<1000000x128xf32, #tpu.memory_space<hbm>>) dst(%arg12 : memref<128x128xf32, #tpu.memory_space<vmem>>)
        %add3A_294 = arith.constant 3 : i32
        %add3A_295 = arith.addi %add3A_286, %add3A_294 : i32
        %lt3A_296 = arith.cmpi slt, %add3A_295, %select_n3A_61 : i32
        %convert_element_type3A_297 = arith.extui %lt3A_296 : i1 to i32
        %cond3A_298 = arith.constant 0 : i32
        %cond3A_299 = arith.cmpi ne, %convert_element_type3A_297, %cond3A_298 : i32
        scf.if %cond3A_299 {
          %mul3A_324 = arith.constant 128 : i32
          %mul3A_325 = arith.muli %add3A_295, %mul3A_324 : i32
          %add3A_326 = arith.addi %mul3A_32, %mul3A_325 : i32
          %min3A_327 = arith.constant 819072 : i32
          %min3A_328 = arith.minsi %add3A_326, %min3A_327 : i32
          %dma_start3A_329 = tpu.memref_slice %arg2[%min3A_328] : memref<819200xi32, #tpu.memory_space<hbm>> -> memref<128xi32, #tpu.memory_space<hbm>>
          %dma_start3A_330 = tpu.memref_slice %arg2[%min3A_328] : memref<819200xi32, #tpu.memory_space<hbm>> -> memref<128xi32, #tpu.memory_space<hbm>>
          tpu.enqueue_dma source(%dma_start3A_330 : memref<128xi32, #tpu.memory_space<hbm>>) target(%arg9 : memref<128xi32, #tpu.memory_space<vmem>>) target_semaphore(%arg25 : memref<!tpu.dma_semaphore, #tpu.memory_space<semaphore_mem>>)
        } else {
        }
        %mul3A_300 = arith.constant 128 : i32
        %mul3A_301 = arith.muli %add3A_286, %mul3A_300 : i32
        %add3A_302 = arith.addi %mul3A_32, %mul3A_301 : i32
        %min3A = arith.constant 819072 : i32
        %min3A_303 = arith.minsi %add3A_302, %min3A : i32
        %max3A = arith.maxsi %add3A_302, %squeeze3A : i32
        %scan3A_304 = arith.constant 0 : i32
        %scan3A_305 = arith.constant 0 : i32
        %scan3A_306 = arith.constant 8 : i32
        %scan3A_307 = arith.addi %scan3A_305, %scan3A_306 : i32
        %scan3A_308 = arith.constant 1 : i32
        scf.for %scan3A_324 = %scan3A_305 to %scan3A_307 step %scan3A_308  : i32 {
          %mul3A_325 = arith.constant 16 : i32
          %mul3A_326 = arith.muli %scan3A_324, %mul3A_325 : i32
          %add3A_327 = arith.addi %min3A_303, %mul3A_326 : i32
          %add3A_328 = vector.broadcast %add3A_327 : i32 to vector<16xi32>
          %add3A_329 = arith.addi %add3A_328, %iota3A : vector<16xi32>
          %broadcast_in_dim3A_330 = arith.constant 0 : i32
          %broadcast_in_dim3A_331 = vector.broadcast %broadcast_in_dim3A_330 : i32 to vector<16xi32>
          %add3A_332 = arith.constant 256 : i32
          %add3A_333 = vector.broadcast %add3A_332 : i32 to vector<16xi32>
          %add3A_334 = arith.addi %broadcast_in_dim3A_331, %add3A_333 : vector<16xi32>
          %min3A_335 = arith.constant 511 : i32
          %min3A_336 = vector.broadcast %min3A_335 : i32 to vector<16xi32>
          %min3A_337 = arith.minsi %add3A_334, %min3A_336 : vector<16xi32>
          %gather3A = tpu.vector_load_idx %arg6[%min3A_337] : memref<528xi32, #tpu.memory_space<vmem>>[vector<16xi32>], vector<16xi32>,
          %le3A = arith.cmpi sle, %gather3A, %add3A_329 : vector<16xi32>
          %select_n3A_338 = arith.select %le3A, %min3A_337, %broadcast_in_dim3A_331 : vector<16xi1>, vector<16xi32>
          %add3A_339 = arith.constant 128 : i32
          %add3A_340 = vector.broadcast %add3A_339 : i32 to vector<16xi32>
          %add3A_341 = arith.addi %select_n3A_338, %add3A_340 : vector<16xi32>
          %min3A_342 = arith.constant 511 : i32
          %min3A_343 = vector.broadcast %min3A_342 : i32 to vector<16xi32>
          %min3A_344 = arith.minsi %add3A_341, %min3A_343 : vector<16xi32>
          %gather3A_345 = tpu.vector_load_idx %arg6[%min3A_344] : memref<528xi32, #tpu.memory_space<vmem>>[vector<16xi32>], vector<16xi32>,
          %le3A_346 = arith.cmpi sle, %gather3A_345, %add3A_329 : vector<16xi32>
          %select_n3A_347 = arith.select %le3A_346, %min3A_344, %select_n3A_338 : vector<16xi1>, vector<16xi32>
          %add3A_348 = arith.constant 64 : i32
          %add3A_349 = vector.broadcast %add3A_348 : i32 to vector<16xi32>
          %add3A_350 = arith.addi %select_n3A_347, %add3A_349 : vector<16xi32>
          %min3A_351 = arith.constant 511 : i32
          %min3A_352 = vector.broadcast %min3A_351 : i32 to vector<16xi32>
          %min3A_353 = arith.minsi %add3A_350, %min3A_352 : vector<16xi32>
          %gather3A_354 = tpu.vector_load_idx %arg6[%min3A_353] : memref<528xi32, #tpu.memory_space<vmem>>[vector<16xi32>], vector<16xi32>,
          %le3A_355 = arith.cmpi sle, %gather3A_354, %add3A_329 : vector<16xi32>
          %select_n3A_356 = arith.select %le3A_355, %min3A_353, %select_n3A_347 : vector<16xi1>, vector<16xi32>
          %add3A_357 = arith.constant 32 : i32
          %add3A_358 = vector.broadcast %add3A_357 : i32 to vector<16xi32>
          %add3A_359 = arith.addi %select_n3A_356, %add3A_358 : vector<16xi32>
          %min3A_360 = arith.constant 511 : i32
          %min3A_361 = vector.broadcast %min3A_360 : i32 to vector<16xi32>
          %min3A_362 = arith.minsi %add3A_359, %min3A_361 : vector<16xi32>
          %gather3A_363 = tpu.vector_load_idx %arg6[%min3A_362] : memref<528xi32, #tpu.memory_space<vmem>>[vector<16xi32>], vector<16xi32>,
          %le3A_364 = arith.cmpi sle, %gather3A_363, %add3A_329 : vector<16xi32>
          %select_n3A_365 = arith.select %le3A_364, %min3A_362, %select_n3A_356 : vector<16xi1>, vector<16xi32>
          %add3A_366 = arith.constant 16 : i32
          %add3A_367 = vector.broadcast %add3A_366 : i32 to vector<16xi32>
          %add3A_368 = arith.addi %select_n3A_365, %add3A_367 : vector<16xi32>
          %min3A_369 = arith.constant 511 : i32
          %min3A_370 = vector.broadcast %min3A_369 : i32 to vector<16xi32>
          %min3A_371 = arith.minsi %add3A_368, %min3A_370 : vector<16xi32>
          %gather3A_372 = tpu.vector_load_idx %arg6[%min3A_371] : memref<528xi32, #tpu.memory_space<vmem>>[vector<16xi32>], vector<16xi32>,
          %le3A_373 = arith.cmpi sle, %gather3A_372, %add3A_329 : vector<16xi32>
          %select_n3A_374 = arith.select %le3A_373, %min3A_371, %select_n3A_365 : vector<16xi1>, vector<16xi32>
          %add3A_375 = arith.constant 8 : i32
          %add3A_376 = vector.broadcast %add3A_375 : i32 to vector<16xi32>
          %add3A_377 = arith.addi %select_n3A_374, %add3A_376 : vector<16xi32>
          %min3A_378 = arith.constant 511 : i32
          %min3A_379 = vector.broadcast %min3A_378 : i32 to vector<16xi32>
          %min3A_380 = arith.minsi %add3A_377, %min3A_379 : vector<16xi32>
          %gather3A_381 = tpu.vector_load_idx %arg6[%min3A_380] : memref<528xi32, #tpu.memory_space<vmem>>[vector<16xi32>], vector<16xi32>,
          %le3A_382 = arith.cmpi sle, %gather3A_381, %add3A_329 : vector<16xi32>
          %select_n3A_383 = arith.select %le3A_382, %min3A_380, %select_n3A_374 : vector<16xi1>, vector<16xi32>
          %add3A_384 = arith.constant 4 : i32
          %add3A_385 = vector.broadcast %add3A_384 : i32 to vector<16xi32>
          %add3A_386 = arith.addi %select_n3A_383, %add3A_385 : vector<16xi32>
          %min3A_387 = arith.constant 511 : i32
          %min3A_388 = vector.broadcast %min3A_387 : i32 to vector<16xi32>
          %min3A_389 = arith.minsi %add3A_386, %min3A_388 : vector<16xi32>
          %gather3A_390 = tpu.vector_load_idx %arg6[%min3A_389] : memref<528xi32, #tpu.memory_space<vmem>>[vector<16xi32>], vector<16xi32>,
          %le3A_391 = arith.cmpi sle, %gather3A_390, %add3A_329 : vector<16xi32>
          %select_n3A_392 = arith.select %le3A_391, %min3A_389, %select_n3A_383 : vector<16xi1>, vector<16xi32>
          %add3A_393 = arith.constant 2 : i32
          %add3A_394 = vector.broadcast %add3A_393 : i32 to vector<16xi32>
          %add3A_395 = arith.addi %select_n3A_392, %add3A_394 : vector<16xi32>
          %min3A_396 = arith.constant 511 : i32
          %min3A_397 = vector.broadcast %min3A_396 : i32 to vector<16xi32>
          %min3A_398 = arith.minsi %add3A_395, %min3A_397 : vector<16xi32>
          %gather3A_399 = tpu.vector_load_idx %arg6[%min3A_398] : memref<528xi32, #tpu.memory_space<vmem>>[vector<16xi32>], vector<16xi32>,
          %le3A_400 = arith.cmpi sle, %gather3A_399, %add3A_329 : vector<16xi32>
          %select_n3A_401 = arith.select %le3A_400, %min3A_398, %select_n3A_392 : vector<16xi1>, vector<16xi32>
          %add3A_402 = arith.constant 1 : i32
          %add3A_403 = vector.broadcast %add3A_402 : i32 to vector<16xi32>
          %add3A_404 = arith.addi %select_n3A_401, %add3A_403 : vector<16xi32>
          %min3A_405 = arith.constant 511 : i32
          %min3A_406 = vector.broadcast %min3A_405 : i32 to vector<16xi32>
          %min3A_407 = arith.minsi %add3A_404, %min3A_406 : vector<16xi32>
          %gather3A_408 = tpu.vector_load_idx %arg6[%min3A_407] : memref<528xi32, #tpu.memory_space<vmem>>[vector<16xi32>], vector<16xi32>,
          %le3A_409 = arith.cmpi sle, %gather3A_408, %add3A_329 : vector<16xi32>
          %select_n3A_410 = arith.select %le3A_409, %min3A_407, %select_n3A_401 : vector<16xi1>, vector<16xi32>
          %ge3A_411 = vector.broadcast %max3A : i32 to vector<16xi32>
          %ge3A_412 = arith.cmpi sge, %add3A_329, %ge3A_411 : vector<16xi32>
          %lt3A_413 = vector.broadcast %select_n3A : i32 to vector<16xi32>
          %lt3A_414 = arith.cmpi slt, %add3A_329, %lt3A_413 : vector<16xi32>
          %and3A_415 = arith.andi %ge3A_412, %lt3A_414 : vector<16xi1>
          %jit3A_416 = arith.constant 512 : i32
          %broadcast_in_dim3A_417 = vector.broadcast %jit3A_416 : i32 to vector<16xi32>
          %select_n3A_418 = arith.select %and3A_415, %select_n3A_410, %broadcast_in_dim3A_417 : vector<16xi1>, vector<16xi32>
          %add3A_419 = vector.broadcast %mul3A_4 : i32 to vector<16xi32>
          %add3A_420 = arith.addi %select_n3A_418, %add3A_419 : vector<16xi32>
          %mul3A_421 = arith.constant 16 : i32
          %mul3A_422 = arith.muli %scan3A_324, %mul3A_421 : i32
          %swap3A = arith.index_cast %mul3A_422 : i32 to index
          %swap3A_423 = tpu.vector_load %arg15[%swap3A] {strides = array<i32>} : memref<128xi32, #tpu.memory_space<vmem>>, vector<16xi32>,
          tpu.vector_store %arg15[%swap3A], %add3A_420 {strides = array<i32>} : memref<128xi32, #tpu.memory_space<vmem>>, vector<16xi32>,
        }
        %scan3A_309 = arith.constant 8 : i32
        %dma_start3A_310 = arith.constant 0 : i32
        %dma_start3A_311 = arith.constant 0 : i32
        %dma_start3A_312 = tpu.memref_slice %arg16[%dma_start3A_310, %dma_start3A_311] : memref<8208x128xf32, #tpu.memory_space<vmem_shared>> -> memref<8208x128xf32, #tpu.memory_space<vmem_shared>>
        tpu.enqueue_indirect_dma source(%arg12 : memref<128x128xf32, #tpu.memory_space<vmem>>) target(%dma_start3A_312 : memref<8208x128xf32, #tpu.memory_space<vmem_shared>>) offsets(%arg15 : memref<128xi32, #tpu.memory_space<vmem>>) semaphore(%arg22 : memref<!tpu.dma_semaphore, #tpu.memory_space<semaphore_mem>>) {add = true}
        %ge3A_313 = arith.constant 1 : i32
        %ge3A_314 = arith.cmpi sge, %add3A_286, %ge3A_313 : i32
        %convert_element_type3A_315 = arith.extui %ge3A_314 : i1 to i32
        %cond3A_316 = arith.constant 0 : i32
        %cond3A_317 = arith.cmpi ne, %convert_element_type3A_315, %cond3A_316 : i32
        scf.if %cond3A_317 {
          %dma_wait3A_324 = arith.constant 0 : i32
          %dma_wait3A_325 = arith.constant 0 : i32
          %dma_wait3A_326 = tpu.memref_slice %arg16[%dma_wait3A_324, %dma_wait3A_325] : memref<8208x128xf32, #tpu.memory_space<vmem_shared>> -> memref<8208x128xf32, #tpu.memory_space<vmem_shared>>
          tpu.wait_indirect_dma semaphore(%arg21 : memref<!tpu.dma_semaphore, #tpu.memory_space<semaphore_mem>>) src(%arg11 : memref<128x128xf32, #tpu.memory_space<vmem>>) dst(%dma_wait3A_326 : memref<8208x128xf32, #tpu.memory_space<vmem_shared>>)
        } else {
        }
        %add3A_318 = arith.constant 2 : i32
        %add3A_319 = arith.addi %add3A_286, %add3A_318 : i32
        %lt3A_320 = arith.cmpi slt, %add3A_319, %select_n3A_61 : i32
        %convert_element_type3A_321 = arith.extui %lt3A_320 : i1 to i32
        %cond3A_322 = arith.constant 0 : i32
        %cond3A_323 = arith.cmpi ne, %convert_element_type3A_321, %cond3A_322 : i32
        scf.if %cond3A_323 {
          %mul3A_324 = arith.constant 128 : i32
          %mul3A_325 = arith.muli %add3A_319, %mul3A_324 : i32
          %add3A_326 = arith.addi %mul3A_32, %mul3A_325 : i32
          %min3A_327 = arith.constant 819072 : i32
          %min3A_328 = arith.minsi %add3A_326, %min3A_327 : i32
          %dma_wait3A_329 = tpu.memref_slice %arg2[%min3A_328] : memref<819200xi32, #tpu.memory_space<hbm>> -> memref<128xi32, #tpu.memory_space<hbm>>
          %dma_wait3A_330 = tpu.memref_slice %arg2[%min3A_328] : memref<819200xi32, #tpu.memory_space<hbm>> -> memref<128xi32, #tpu.memory_space<hbm>>
          tpu.wait_dma2 semaphore(%arg24 : memref<!tpu.dma_semaphore, #tpu.memory_space<semaphore_mem>>) src(%dma_wait3A_330 : memref<128xi32, #tpu.memory_space<hbm>>) dst(%arg8 : memref<128xi32, #tpu.memory_space<vmem>>)
          %dma_start3A_331 = arith.constant 0 : i32
          %dma_start3A_332 = arith.constant 0 : i32
          %dma_start3A_333 = tpu.memref_slice %arg4[%dma_start3A_331, %dma_start3A_332] : memref<1000000x128xf32, #tpu.memory_space<hbm>> -> memref<1000000x128xf32, #tpu.memory_space<hbm>>
          tpu.enqueue_indirect_dma source(%dma_start3A_333 : memref<1000000x128xf32, #tpu.memory_space<hbm>>) target(%arg11 : memref<128x128xf32, #tpu.memory_space<vmem>>) offsets(%arg8 : memref<128xi32, #tpu.memory_space<vmem>>) semaphore(%arg18 : memref<!tpu.dma_semaphore, #tpu.memory_space<semaphore_mem>>)
        } else {
        }
      } else {
      }
    }
    %ge3A = arith.constant 1 : i32
    %ge3A_189 = arith.cmpi sge, %select_n3A_61, %ge3A : i32
    %sub3A_190 = arith.constant 1 : i32
    %sub3A_191 = arith.subi %select_n3A_61, %sub3A_190 : i32
    %jit3A_192 = arith.constant 3 : i32
    %eq3A_193 = arith.constant 0 : i32
    %eq3A_194 = arith.cmpi eq, %jit3A_192, %eq3A_193 : i32
    %jit3A_195 = arith.constant 1 : i32
    %select_n3A_196 = arith.select %eq3A_194, %jit3A_195, %jit3A_192 : i32
    %rem3A_197 = arith.remsi %sub3A_191, %select_n3A_196 : i32
    %ne3A_198 = arith.constant 0 : i32
    %ne3A_199 = arith.cmpi ne, %rem3A_197, %ne3A_198 : i32
    %lt3A_200 = arith.constant 0 : i32
    %lt3A_201 = arith.cmpi slt, %rem3A_197, %lt3A_200 : i32
    %lt3A_202 = arith.constant 0 : i32
    %lt3A_203 = arith.cmpi slt, %select_n3A_196, %lt3A_202 : i32
    %ne3A_204 = arith.xori %lt3A_201, %lt3A_203 : i1
    %and3A_205 = arith.andi %ne3A_204, %ne3A_199 : i1
    %add3A_206 = arith.addi %rem3A_197, %select_n3A_196 : i32
    %select_n3A_207 = arith.select %and3A_205, %add3A_206, %rem3A_197 : i32
    %eq3A_208 = arith.constant 0 : i32
    %eq3A_209 = arith.cmpi eq, %select_n3A_207, %eq3A_208 : i32
    %and3A_210 = arith.andi %ge3A_189, %eq3A_209 : i1
    %convert_element_type3A_211 = arith.extui %and3A_210 : i1 to i32
    %cond3A_212 = arith.constant 0 : i32
    %cond3A_213 = arith.cmpi ne, %convert_element_type3A_211, %cond3A_212 : i32
    scf.if %cond3A_213 {
      %dma_wait3A_266 = arith.constant 0 : i32
      %dma_wait3A_267 = arith.constant 0 : i32
      %dma_wait3A_268 = tpu.memref_slice %arg16[%dma_wait3A_266, %dma_wait3A_267] : memref<8208x128xf32, #tpu.memory_space<vmem_shared>> -> memref<8208x128xf32, #tpu.memory_space<vmem_shared>>
      tpu.wait_indirect_dma semaphore(%arg20 : memref<!tpu.dma_semaphore, #tpu.memory_space<semaphore_mem>>) src(%arg10 : memref<128x128xf32, #tpu.memory_space<vmem>>) dst(%dma_wait3A_268 : memref<8208x128xf32, #tpu.memory_space<vmem_shared>>)
    } else {
    }
    %ge3A_214 = arith.constant 1 : i32
    %ge3A_215 = arith.cmpi sge, %select_n3A_61, %ge3A_214 : i32
    %sub3A_216 = arith.constant 1 : i32
    %sub3A_217 = arith.subi %select_n3A_61, %sub3A_216 : i32
    %jit3A_218 = arith.constant 3 : i32
    %eq3A_219 = arith.constant 0 : i32
    %eq3A_220 = arith.cmpi eq, %jit3A_218, %eq3A_219 : i32
    %jit3A_221 = arith.constant 1 : i32
    %select_n3A_222 = arith.select %eq3A_220, %jit3A_221, %jit3A_218 : i32
    %rem3A_223 = arith.remsi %sub3A_217, %select_n3A_222 : i32
    %ne3A_224 = arith.constant 0 : i32
    %ne3A_225 = arith.cmpi ne, %rem3A_223, %ne3A_224 : i32
    %lt3A_226 = arith.constant 0 : i32
    %lt3A_227 = arith.cmpi slt, %rem3A_223, %lt3A_226 : i32
    %lt3A_228 = arith.constant 0 : i32
    %lt3A_229 = arith.cmpi slt, %select_n3A_222, %lt3A_228 : i32
    %ne3A_230 = arith.xori %lt3A_227, %lt3A_229 : i1
    %and3A_231 = arith.andi %ne3A_230, %ne3A_225 : i1
    %add3A_232 = arith.addi %rem3A_223, %select_n3A_222 : i32
    %select_n3A_233 = arith.select %and3A_231, %add3A_232, %rem3A_223 : i32
    %eq3A_234 = arith.constant 1 : i32
    %eq3A_235 = arith.cmpi eq, %select_n3A_233, %eq3A_234 : i32
    %and3A_236 = arith.andi %ge3A_215, %eq3A_235 : i1
    %convert_element_type3A_237 = arith.extui %and3A_236 : i1 to i32
    %cond3A_238 = arith.constant 0 : i32
    %cond3A_239 = arith.cmpi ne, %convert_element_type3A_237, %cond3A_238 : i32
    scf.if %cond3A_239 {
      %dma_wait3A_266 = arith.constant 0 : i32
      %dma_wait3A_267 = arith.constant 0 : i32
      %dma_wait3A_268 = tpu.memref_slice %arg16[%dma_wait3A_266, %dma_wait3A_267] : memref<8208x128xf32, #tpu.memory_space<vmem_shared>> -> memref<8208x128xf32, #tpu.memory_space<vmem_shared>>
      tpu.wait_indirect_dma semaphore(%arg21 : memref<!tpu.dma_semaphore, #tpu.memory_space<semaphore_mem>>) src(%arg11 : memref<128x128xf32, #tpu.memory_space<vmem>>) dst(%dma_wait3A_268 : memref<8208x128xf32, #tpu.memory_space<vmem_shared>>)
    } else {
    }
    %ge3A_240 = arith.constant 1 : i32
    %ge3A_241 = arith.cmpi sge, %select_n3A_61, %ge3A_240 : i32
    %sub3A_242 = arith.constant 1 : i32
    %sub3A_243 = arith.subi %select_n3A_61, %sub3A_242 : i32
    %jit3A_244 = arith.constant 3 : i32
    %eq3A_245 = arith.constant 0 : i32
    %eq3A_246 = arith.cmpi eq, %jit3A_244, %eq3A_245 : i32
    %jit3A_247 = arith.constant 1 : i32
    %select_n3A_248 = arith.select %eq3A_246, %jit3A_247, %jit3A_244 : i32
    %rem3A_249 = arith.remsi %sub3A_243, %select_n3A_248 : i32
    %ne3A_250 = arith.constant 0 : i32
    %ne3A_251 = arith.cmpi ne, %rem3A_249, %ne3A_250 : i32
    %lt3A_252 = arith.constant 0 : i32
    %lt3A_253 = arith.cmpi slt, %rem3A_249, %lt3A_252 : i32
    %lt3A_254 = arith.constant 0 : i32
    %lt3A_255 = arith.cmpi slt, %select_n3A_248, %lt3A_254 : i32
    %ne3A_256 = arith.xori %lt3A_253, %lt3A_255 : i1
    %and3A_257 = arith.andi %ne3A_256, %ne3A_251 : i1
    %add3A_258 = arith.addi %rem3A_249, %select_n3A_248 : i32
    %select_n3A_259 = arith.select %and3A_257, %add3A_258, %rem3A_249 : i32
    %eq3A_260 = arith.constant 2 : i32
    %eq3A_261 = arith.cmpi eq, %select_n3A_259, %eq3A_260 : i32
    %and3A_262 = arith.andi %ge3A_241, %eq3A_261 : i1
    %convert_element_type3A_263 = arith.extui %and3A_262 : i1 to i32
    %cond3A_264 = arith.constant 0 : i32
    %cond3A_265 = arith.cmpi ne, %convert_element_type3A_263, %cond3A_264 : i32
    scf.if %cond3A_265 {
      %dma_wait3A_266 = arith.constant 0 : i32
      %dma_wait3A_267 = arith.constant 0 : i32
      %dma_wait3A_268 = tpu.memref_slice %arg16[%dma_wait3A_266, %dma_wait3A_267] : memref<8208x128xf32, #tpu.memory_space<vmem_shared>> -> memref<8208x128xf32, #tpu.memory_space<vmem_shared>>
      tpu.wait_indirect_dma semaphore(%arg22 : memref<!tpu.dma_semaphore, #tpu.memory_space<semaphore_mem>>) src(%arg12 : memref<128x128xf32, #tpu.memory_space<vmem>>) dst(%dma_wait3A_268 : memref<8208x128xf32, #tpu.memory_space<vmem_shared>>)
    } else {
    }
    "tpu.region"() ({
      %run_scoped3A = tpu.sem_alloc : memref<!tpu.dma_semaphore, #tpu.memory_space<semaphore_mem>>
      %dma_start3A_266 = arith.constant 0 : i32
      %dma_start3A_267 = tpu.memref_slice %arg5[%mul3A_2, %dma_start3A_266] : memref<16384x128xf32, #tpu.memory_space<hbm>> -> memref<512x128xf32, #tpu.memory_space<hbm>>
      %dma_start3A_268 = arith.constant 0 : i32
      %dma_start3A_269 = tpu.memref_slice %arg16[%mul3A_4, %dma_start3A_268] : memref<8208x128xf32, #tpu.memory_space<vmem_shared>> -> memref<512x128xf32, #tpu.memory_space<vmem_shared>>
      tpu.enqueue_dma source(%dma_start3A_269 : memref<512x128xf32, #tpu.memory_space<vmem_shared>>) target(%dma_start3A_267 : memref<512x128xf32, #tpu.memory_space<hbm>>) target_semaphore(%run_scoped3A : memref<!tpu.dma_semaphore, #tpu.memory_space<semaphore_mem>>)
      %dma_wait3A_270 = arith.constant 0 : i32
      %dma_wait3A_271 = tpu.memref_slice %arg5[%mul3A_2, %dma_wait3A_270] : memref<16384x128xf32, #tpu.memory_space<hbm>> -> memref<512x128xf32, #tpu.memory_space<hbm>>
      %dma_wait3A_272 = arith.constant 0 : i32
      %dma_wait3A_273 = tpu.memref_slice %arg16[%mul3A_4, %dma_wait3A_272] : memref<8208x128xf32, #tpu.memory_space<vmem_shared>> -> memref<512x128xf32, #tpu.memory_space<vmem_shared>>
      tpu.wait_dma2 semaphore(%run_scoped3A : memref<!tpu.dma_semaphore, #tpu.memory_space<semaphore_mem>>) src(%dma_wait3A_273 : memref<512x128xf32, #tpu.memory_space<vmem_shared>>) dst(%dma_wait3A_271 : memref<512x128xf32, #tpu.memory_space<hbm>>)
      tpu.yield
    }) : () -> ()
    return
  }
}

module attributes {stable_mosaic.version = 14 : i64} {
  func.func @body(%arg0: i32, %arg1: memref<4096x128xf32, #tpu.memory_space<vmem>>, %arg2: memref<4096x1xi32, #tpu.memory_space<vmem>>, %arg3: memref<4096x1xi32, #tpu.memory_space<vmem>>, %arg4: memref<4096x2xf32, #tpu.memory_space<vmem>>, %arg5: memref<128x64xf32, #tpu.memory_space<vmem>>, %arg6: memref<2x64xf32, #tpu.memory_space<vmem>>, %arg7: memref<1x64xf32, #tpu.memory_space<vmem>>, %arg8: memref<64x2xf32, #tpu.memory_space<vmem>>, %arg9: memref<1x2xf32, #tpu.memory_space<vmem>>, %arg10: memref<4096x2xf32, #tpu.memory_space<vmem>>) attributes {dimension_semantics = [#tpu.dimension_semantics<arbitrary>], iteration_bounds = array<i64: 4>, scalar_prefetch = 0 : i64, scratch_operands = 0 : i64, tpu.core_type = #tpu.core_type<tc>, window_params = [{transform_indices = @transform_0, window_bounds = array<i64: 4096, 128>}, {transform_indices = @transform_1, window_bounds = array<i64: 4096, 1>}, {transform_indices = @transform_2, window_bounds = array<i64: 4096, 1>}, {transform_indices = @transform_3, window_bounds = array<i64: 4096, 2>}, {pipeline_mode = #tpu.pipeline_mode<synchronous>, transform_indices = @transform_4, window_bounds = array<i64: 128, 64>}, {pipeline_mode = #tpu.pipeline_mode<synchronous>, transform_indices = @transform_5, window_bounds = array<i64: 2, 64>}, {pipeline_mode = #tpu.pipeline_mode<synchronous>, transform_indices = @transform_6, window_bounds = array<i64: 1, 64>}, {pipeline_mode = #tpu.pipeline_mode<synchronous>, transform_indices = @transform_7, window_bounds = array<i64: 64, 2>}, {pipeline_mode = #tpu.pipeline_mode<synchronous>, transform_indices = @transform_8, window_bounds = array<i64: 1, 2>}, {transform_indices = @transform_9, window_bounds = array<i64: 4096, 2>}]} {
    %get3A = arith.constant 0 : index
    %get3A_0 = arith.constant 0 : index
    %get3A_1 = vector.load %arg3[%get3A, %get3A_0] : memref<4096x1xi32, #tpu.memory_space<vmem>>, vector<4096x1xi32>
    %get3A_2 = arith.constant 0 : index
    %get3A_3 = arith.constant 0 : index
    %get3A_4 = vector.load %arg2[%get3A_2, %get3A_3] : memref<4096x1xi32, #tpu.memory_space<vmem>>, vector<4096x1xi32>
    %sub3A = arith.subi %get3A_1, %get3A_4 : vector<4096x1xi32>
    %convert_element_type3A = arith.sitofp %sub3A : vector<4096x1xi32> to vector<4096x1xf32>
    %get3A_5 = arith.constant 0 : index
    %get3A_6 = arith.constant 0 : index
    %get3A_7 = vector.load %arg1[%get3A_5, %get3A_6] : memref<4096x128xf32, #tpu.memory_space<vmem>>, vector<4096x128xf32>
    %max3A = arith.constant 1.000000e+00 : f32
    %max3A_8 = vector.broadcast %max3A : f32 to vector<4096x1xf32>
    %max3A_9 = arith.maximumf %convert_element_type3A, %max3A_8 : vector<4096x1xf32>
    %div3A = arith.constant 1.000000e+00 : f32
    %div3A_10 = vector.broadcast %div3A : f32 to vector<4096x1xf32>
    %div3A_11 = arith.divf %div3A_10, %max3A_9 : vector<4096x1xf32>
    %mul3A = vector.broadcast %div3A_11 : vector<4096x1xf32> to vector<4096x128xf32>
    %mul3A_12 = arith.mulf %get3A_7, %mul3A : vector<4096x128xf32>
    %max3A_13 = arith.constant 0.000000e+00 : f32
    %max3A_14 = vector.broadcast %max3A_13 : f32 to vector<4096x128xf32>
    %max3A_15 = arith.maximumf %mul3A_12, %max3A_14 : vector<4096x128xf32>
    %get3A_16 = arith.constant 0 : index
    %get3A_17 = arith.constant 0 : index
    %get3A_18 = vector.load %arg4[%get3A_16, %get3A_17] : memref<4096x2xf32, #tpu.memory_space<vmem>>, vector<4096x2xf32>
    %get3A_19 = arith.constant 0 : index
    %get3A_20 = arith.constant 0 : index
    %get3A_21 = vector.load %arg5[%get3A_19, %get3A_20] : memref<128x64xf32, #tpu.memory_space<vmem>>, vector<128x64xf32>
    %dot_general3A = arith.constant dense<0.000000e+00> : vector<4096x64xf32>
    %dot_general3A_22 = tpu.matmul %max3A_15, %get3A_21, %dot_general3A {dimension_numbers = #tpu.dot_dimension_numbers<[1], [0], [0], [1], [0, 0, 1, 1], [], []>, transpose_lhs_hint = false} : vector<4096x128xf32>, vector<128x64xf32>, vector<4096x64xf32> -> vector<4096x64xf32>
    %slice3A = vector.extract_strided_slice %get3A_18 {offsets = [0, 0], sizes = [4096, 1], strides = [1, 1]} : vector<4096x2xf32> to vector<4096x1xf32>
    %get3A_23 = arith.constant 0 : index
    %get3A_24 = arith.constant 0 : index
    %get3A_25 = vector.load %arg6[%get3A_23, %get3A_24] : memref<2x64xf32, #tpu.memory_space<vmem>>, vector<1x64xf32>
    %mul3A_26 = vector.broadcast %slice3A : vector<4096x1xf32> to vector<4096x64xf32>
    %mul3A_27 = vector.broadcast %get3A_25 : vector<1x64xf32> to vector<4096x64xf32>
    %mul3A_28 = arith.mulf %mul3A_26, %mul3A_27 : vector<4096x64xf32>
    %add3A = arith.addf %dot_general3A_22, %mul3A_28 : vector<4096x64xf32>
    %slice3A_29 = vector.extract_strided_slice %get3A_18 {offsets = [0, 1], sizes = [4096, 1], strides = [1, 1]} : vector<4096x2xf32> to vector<4096x1xf32>
    %get3A_30 = arith.constant 1 : index
    %get3A_31 = arith.constant 0 : index
    %get3A_32 = vector.load %arg6[%get3A_30, %get3A_31] : memref<2x64xf32, #tpu.memory_space<vmem>>, vector<1x64xf32>
    %mul3A_33 = vector.broadcast %slice3A_29 : vector<4096x1xf32> to vector<4096x64xf32>
    %mul3A_34 = vector.broadcast %get3A_32 : vector<1x64xf32> to vector<4096x64xf32>
    %mul3A_35 = arith.mulf %mul3A_33, %mul3A_34 : vector<4096x64xf32>
    %add3A_36 = arith.addf %add3A, %mul3A_35 : vector<4096x64xf32>
    %get3A_37 = arith.constant 0 : index
    %get3A_38 = arith.constant 0 : index
    %get3A_39 = vector.load %arg7[%get3A_37, %get3A_38] : memref<1x64xf32, #tpu.memory_space<vmem>>, vector<1x64xf32>
    %add3A_40 = vector.broadcast %get3A_39 : vector<1x64xf32> to vector<4096x64xf32>
    %add3A_41 = arith.addf %add3A_36, %add3A_40 : vector<4096x64xf32>
    %max3A_42 = arith.constant 0.000000e+00 : f32
    %max3A_43 = vector.broadcast %max3A_42 : f32 to vector<4096x64xf32>
    %max3A_44 = arith.maximumf %add3A_41, %max3A_43 : vector<4096x64xf32>
    %get3A_45 = arith.constant 0 : index
    %get3A_46 = arith.constant 0 : index
    %get3A_47 = vector.load %arg8[%get3A_45, %get3A_46] : memref<64x2xf32, #tpu.memory_space<vmem>>, vector<64x2xf32>
    %dot_general3A_48 = arith.constant dense<0.000000e+00> : vector<4096x2xf32>
    %dot_general3A_49 = tpu.matmul %max3A_44, %get3A_47, %dot_general3A_48 {dimension_numbers = #tpu.dot_dimension_numbers<[1], [0], [0], [1], [0, 0, 1, 1], [], []>, transpose_lhs_hint = false} : vector<4096x64xf32>, vector<64x2xf32>, vector<4096x2xf32> -> vector<4096x2xf32>
    %get3A_50 = arith.constant 0 : index
    %get3A_51 = arith.constant 0 : index
    %get3A_52 = vector.load %arg9[%get3A_50, %get3A_51] : memref<1x2xf32, #tpu.memory_space<vmem>>, vector<1x2xf32>
    %add3A_53 = vector.broadcast %get3A_52 : vector<1x2xf32> to vector<4096x2xf32>
    %add3A_54 = arith.addf %dot_general3A_49, %add3A_53 : vector<4096x2xf32>
    %swap3A = arith.constant 0 : index
    %swap3A_55 = arith.constant 0 : index
    %swap3A_56 = vector.load %arg10[%swap3A, %swap3A_55] : memref<4096x2xf32, #tpu.memory_space<vmem>>, vector<4096x2xf32>
    tpu.vector_store %arg10[%swap3A, %swap3A_55], %add3A_54 {strides = array<i32>} : memref<4096x2xf32, #tpu.memory_space<vmem>>, vector<4096x2xf32>,
    return
  }
  func.func @transform_0(%arg0: i32) -> (i32, i32) {
    %c0_i32 = arith.constant 0 : i32
    %c0_i32_0 = arith.constant 0 : i32
    return %arg0, %c0_i32 : i32, i32
  }
  func.func @transform_1(%arg0: i32) -> (i32, i32) {
    %c0_i32 = arith.constant 0 : i32
    %c0_i32_0 = arith.constant 0 : i32
    return %arg0, %c0_i32 : i32, i32
  }
  func.func @transform_2(%arg0: i32) -> (i32, i32) {
    %c0_i32 = arith.constant 0 : i32
    %c0_i32_0 = arith.constant 0 : i32
    return %arg0, %c0_i32 : i32, i32
  }
  func.func @transform_3(%arg0: i32) -> (i32, i32) {
    %c0_i32 = arith.constant 0 : i32
    %c0_i32_0 = arith.constant 0 : i32
    return %arg0, %c0_i32 : i32, i32
  }
  func.func @transform_4(%arg0: i32) -> (i32, i32) {
    %c0_i32 = arith.constant 0 : i32
    %c0_i32_0 = arith.constant 0 : i32
    %c0_i32_1 = arith.constant 0 : i32
    return %c0_i32, %c0_i32_0 : i32, i32
  }
  func.func @transform_5(%arg0: i32) -> (i32, i32) {
    %c0_i32 = arith.constant 0 : i32
    %c0_i32_0 = arith.constant 0 : i32
    %c0_i32_1 = arith.constant 0 : i32
    return %c0_i32, %c0_i32_0 : i32, i32
  }
  func.func @transform_6(%arg0: i32) -> (i32, i32) {
    %c0_i32 = arith.constant 0 : i32
    %c0_i32_0 = arith.constant 0 : i32
    %c0_i32_1 = arith.constant 0 : i32
    return %c0_i32, %c0_i32_0 : i32, i32
  }
  func.func @transform_7(%arg0: i32) -> (i32, i32) {
    %c0_i32 = arith.constant 0 : i32
    %c0_i32_0 = arith.constant 0 : i32
    %c0_i32_1 = arith.constant 0 : i32
    return %c0_i32, %c0_i32_0 : i32, i32
  }
  func.func @transform_8(%arg0: i32) -> (i32, i32) {
    %c0_i32 = arith.constant 0 : i32
    %c0_i32_0 = arith.constant 0 : i32
    %c0_i32_1 = arith.constant 0 : i32
    return %c0_i32, %c0_i32_0 : i32, i32
  }
  func.func @transform_9(%arg0: i32) -> (i32, i32) {
    %c0_i32 = arith.constant 0 : i32
    %c0_i32_0 = arith.constant 0 : i32
    return %arg0, %c0_i32 : i32, i32
  }
}

</mosaic_0001>

<sc_bundles>
// kernel: kernel.4.cloned.1.call-start
scs
__scs_entry_jumppad:
0x0: {  	(pc) =	sbr.rel $0x88, $3  }
0x1: {  	(tag) =	ssettag $0x0;
	lr =	simm.s32 $0x1  }
0x2: {  	[smem:$0x3F99] =	sst lr;
	_ =	strace $0xD0000000  }
0x3: {  	_ = 	snop  }
0x4: {  	_ = 	snop  }
0x5: {  	_ = 	snop  }
0x6: {  	_ = 	snop  }
0x7: {  	_ = 	snop  }
__scs_overlays_trampoline_lowered:
0x8: {  	[smem:$0x3FA8] =	sst s0  }
0x9: {  	[smem:$0x3FA9] =	sst s1  }
0xa: {  	[smem:$0x3FAA] =	sst s2  }
0xb: {  	[smem:$0x3FAB] =	sst s3  }
0xc: {  	[smem:$0x3FAC] =	sst s4  }
0xd: {  	[smem:$0x3FAD] =	sst s5  }
0xe: {  	[smem:$0x3FAE] =	sst s6  }
0xf: {  	[smem:$0x3FAF] =	sst s7  }
0x10: {  	[smem:$0x3FB0] =	sst s8  }
0x11: {  	[smem:$0x3FB1] =	sst s9;
	s0 =	simm.s32 @!p0 $0x0  }
0x12: {  	s1 =	sld [smem:$0x3F97];
	s0 =	simm.s32 @p0 $0x1  }
0x13: {  	[smem:$0x3FB2] =	sst s0;
	s0 =	simm.s32 @!p1 $0x0  }
0x14: {  	s2 =	sld [smem:$0x3F96];
	s0 =	simm.s32 @p1 $0x1  }
0x15: {  	[smem:$0x3FB3] =	sst s0;
	s0 =	simm.s32 @!p2 $0x0  }
0x16: {  	s3 =	sld [smem:$0x3FDB];
	s0 =	simm.s32 @p2 $0x1  }
0x17: {  	s4 =	simm.s32 $0x1BF5;
	[smem:$0x3FB5] =	sst s0  }
0x18: {  	s0 =	sld [smem:$0x3F98];
	_ =	swait.ge [sflag:s4], $0x0  }
0x19: {  	s7 =	sld [smem:$0x3F99]  }
0x1a: {  	s8 =	sadd.s32 $0xFFFFE003, lr  }
0x1b: {  	s9 =	sadd.s32 $0xFFFFFEF7, lr;
	s5 =	simm.s32 $0xFFFFFFFF;
	p2 =	slt.u32 s8, $0xFFFFF086  }
0x1c: {  	p1 =	slt.u32 s9, $0xF7A;
	s5 =	simm.s32 @!p2 $0x0  }
0x1d: {  	s5 =	simm.s32 @p1 $0x1;
	p0 =	seq.s32 s7, s2  }
0x1e: {  	s7 =	smul.u32 @!p0 $0xF7A, s2;
	p2 =	seq.s32 @!p0 s5, $0x0  }
0x1f: {  	s9 =	smul.u32 $0xF7A, s1;
	s8 =	simm.s32 @!p0 $0x1BF5;
	p2 =	por !p2, p0  }
0x20: {  	[sflag:s8] =	ssyncset.s32 @!p0 $0xFFFFF086;
	s6 =	sadd.s32 @!p0 s3, s7;
	s7 =	simm.s32 @!p0 $0x108  }
0x21: {  	s3 =	sadd.s32 s3, s9;
	s6 =	sadd.s32 @!p0 $0x88, s6;
	s7 =	simm.s32 @p2 $0x1082  }
0x22: {  	[simem:s7], [sflag:s8] =	dma.local @!p0 [hbm:s6], $0xF7A  }
0x23: {  	s9 =	sor.u32 $0xD0000000, s2;
	s6 =	simm.s32 $0x108;
	_ =	swait.ge @!p0 [sflag:s8], $0x0  }
0x24: {  	s3 =	sadd.s32 $0x88, s3;
	s6 =	simm.s32 @!p1 $0x1082;
	[sflag:s4] =	ssyncset.s32 $0xFFFFF086  }
0x25: {  	[simem:s6], [sflag:s4] =	dma.local [hbm:s3], $0xF7A  }
0x26: {  	[smem:$0x3F99] =	sst s1;
	(tag) =	ssettag s2;
	_ =	strace s9  }
0x27: {  	s1 =	sld [smem:$0x3FA9]  }
0x28: {  	s2 =	sld [smem:$0x3FAA]  }
0x29: {  	s4 =	sld [smem:$0x3FAC]  }
0x2a: {  	p0 =	seq.s32 s5, $0x0;
	s5 =	sld [smem:$0x3FAD]  }
0x2b: {  	s6 =	sld [smem:$0x3FAE]  }
0x2c: {  	s7 =	sld [smem:$0x3FAF]  }
0x2d: {  	s3 =	simm.s32 $0x108;
	s8 =	sld [smem:$0x3FB0]  }
0x2e: {  	s3 =	simm.s32 @!p0 $0x1082;
	s9 =	sld [smem:$0x3FB1]  }
0x2f: {  	lr =	sadd.s32 s0, s3;
	s0 =	sld [smem:$0x3FA8]  }
0x30: {  	s3 =	sld [smem:$0x3FAB]  }
0x31: {  	[smem:$0x3FB4] =	sst s10  }
0x32: {  	s10 =	sld [smem:$0x3FB2];
	_ =	sdelay $0x3  }
0x33: {  	p0 =	seq.s32 s10, $0x1;
	s10 =	sld [smem:$0x3FB4];
	_ =	sdelay $0x3  }
0x34: {  	[smem:$0x3FB4] =	sst s10  }
0x35: {  	s10 =	sld [smem:$0x3FB3];
	_ =	sdelay $0x3  }
0x36: {  	p1 =	seq.s32 s10, $0x1;
	s10 =	sld [smem:$0x3FB4];
	_ =	sdelay $0x3  }
0x37: {  	[smem:$0x3FB4] =	sst s10  }
0x38: {  	s10 =	sld [smem:$0x3FB5]  }
0x39: {  	_ = 	snop;
	(pc) =	sbr.ind lr, $3  }
0x3a: {  	_ = 	snop  }
0x3b: {  	_ = 	snop  }
0x3c: {  	p2 =	seq.s32 s10, $0x1;
	s10 =	sld [smem:$0x3FB4]  }
0x3d: {  	_ =	shalt  }
0x3e: {  	_ =	shalt  }
0x3f: {  	_ =	shalt  }
0x40: {  	_ =	shalt  }
0x41: {  	_ =	shalt  }
0x42: {  	_ =	shalt  }
0x43: {  	_ =	shalt  }
0x44: {  	_ =	shalt  }
0x45: {  	_ =	shalt  }
0x46: {  	_ =	shalt  }
0x47: {  	_ =	shalt  }
0x48: {  	_ =	shalt  }
0x49: {  	_ =	shalt  }
0x4a: {  	_ =	shalt  }
0x4b: {  	_ =	shalt  }
0x4c: {  	_ =	shalt  }
0x4d: {  	_ =	shalt  }
0x4e: {  	_ =	shalt  }
0x4f: {  	_ =	shalt  }
0x50: {  	_ =	shalt  }
0x51: {  	_ =	shalt  }
0x52: {  	_ =	shalt  }
0x53: {  	_ =	shalt  }
0x54: {  	_ =	shalt  }
0x55: {  	_ =	shalt  }
0x56: {  	_ =	shalt  }
0x57: {  	_ =	shalt  }
0x58: {  	_ =	shalt  }
0x59: {  	_ =	shalt  }
0x5a: {  	_ =	shalt  }
0x5b: {  	_ =	shalt  }
0x5c: {  	_ =	shalt  }
0x5d: {  	_ =	shalt  }
0x5e: {  	_ =	shalt  }
0x5f: {  	_ =	shalt  }
0x60: {  	_ =	shalt  }
0x61: {  	_ =	shalt  }
0x62: {  	_ =	shalt  }
0x63: {  	_ =	shalt  }
0x64: {  	_ =	shalt  }
0x65: {  	_ =	shalt  }
0x66: {  	_ =	shalt  }
0x67: {  	_ =	shalt  }
0x68: {  	_ =	shalt  }
0x69: {  	_ =	shalt  }
0x6a: {  	_ =	shalt  }
0x6b: {  	_ =	shalt  }
0x6c: {  	_ =	shalt  }
0x6d: {  	_ =	shalt  }
0x6e: {  	_ =	shalt  }
0x6f: {  	_ =	shalt  }
0x70: {  	_ =	shalt  }
0x71: {  	_ =	shalt  }
0x72: {  	_ =	shalt  }
0x73: {  	_ =	shalt  }
0x74: {  	_ =	shalt  }
0x75: {  	_ =	shalt  }
0x76: {  	_ =	shalt  }
0x77: {  	_ =	shalt  }
0x78: {  	_ =	shalt  }
0x79: {  	_ =	shalt  }
0x7a: {  	_ =	shalt  }
0x7b: {  	_ =	shalt  }
0x7c: {  	_ =	shalt  }
0x7d: {  	_ =	shalt  }
0x7e: {  	_ =	shalt  }
0x7f: {  	_ =	shalt  }
0x80: {  	_ =	shalt  }
0x81: {  	_ =	shalt  }
0x82: {  	_ =	shalt  }
0x83: {  	_ =	shalt  }
0x84: {  	_ =	shalt  }
0x85: {  	_ =	shalt  }
0x86: {  	_ =	shalt  }
0x87: {  	_ =	shalt  }
.Lfunc_end0:
.L_simem_size_0:
called_computation_lowered:
.L_overlay_start_0:
0x88: {  	s2 =	sld [smem:$0x3FD9]  }
0x89: {  	s3 =	sld [smem:$0x3FFE];
	_ =	sdelay $0x1  }
0x8a: {  	s1 =	srdreg.scid  }
0x8b: {  	s0 =	sand.u32 $0x1, s1  }
0x8c: {  	s17 =	sshll.u32 s0, $0xA;
	s2 =	sadd.s32 s3, s2  }
0x8d: {  	s2 =	sadd.s32 s2, s17  }
0x8e: {  	[smem:$0x3FC0] =	sst s2  }
0x8f: {  	_ = 	snop  }
0x90: {  	s2 =	sld [smem:$0x3FC8]  }
0x91: {  	s18 =	sld [smem:$0x3FC7]  }
0x92: {  	s4 =	sld [smem:$0x3FC6];
	(tm) =	ssettm $0x1  }
0x93: {  	s5 =	sld [smem:$0x3FFB];
	_ =	sdelay $0x3  }
0x94: {  	_ =	strace s5  }
0x95: {  	s5 =	sld [smem:$0x3FFC];
	_ =	sdelay $0x3  }
0x96: {  	_ =	strace s5  }
0x97: {  	s5 =	sld [smem:$0x3FFD];
	_ =	sdelay $0x3  }
0x98: {  	_ =	strace s5  }
0x99: {  	_ =	strace $0x8FFFFFFF  }
0x9a: {  	s19 =	sld [smem:$0x3FDB];
	_ =	sdelay $0x1  }
0x9b: {  	s6 =	simm.s32 $_scs_section_size  }
0x9c: {  	s7 =	simm.s32 $_size__tile_overlayer_lowered;
	s8 =	simm.s32 $_tile_overlayer_lowered  }
0x9d: {  	s22 =	simm.s32 $0x1BFF;
	s21 =	sshll.u32 s8, $0x1;
	s5 =	sadd.s32 s6, s19  }
0x9e: {  	s9 =	simm.s32 $0x0;
	s20 =	sshll.u32 s7, $0x1;
	s7 =	sadd.s32 s21, s5  }
0x9f: {  	[timem:s9], [sflag:s22] =	dma.local [hbm:s7], s20  }
0xa0: {  	_ =	swait.ge [sflag:s22], s20  }
0xa1: {  	s6 =	ssub.s32 $0x0, s20;
	[sflag:s22] =	ssyncset.done $0x0  }
0xa2: {  	[sflag:s22] =	ssyncadd.s32 s6;
	_ =	sdelay $0x1  }
0xa3: {  	s23 =	simm.s32 $0x1B8B  }
0xa4: {  	_ =	swait.ge [sflag:s23], $0x1  }
0xa5: {  	[sflag:s23] =	ssyncset.done $0x0  }
0xa6: {  	s25 =	simm.s32 $0x1B8E;
	s24 =	sld [smem:$0x3FFE];
	[sflag:s23] =	ssyncadd.s32 $0xFFFFFFFF  }
0xa7: {  	s26 =	simm.s32 $execute0_lowered;
	[smem:$0x3FD2] =	sst s25  }
0xa8: {  	s7 =	sshll.u32 s26, $0x1;
	_ =	strace $0x80000046;
	[dreg:$0x1] =	wrdreg $0xFFFFFFFF  }
0xa9: {  	s28 =	simm.s32 $_size_execute0_lowered;
	s5 =	sadd.s32 s5, s7;
	[dreg:$0x0] =	wrdreg $0x0  }
0xaa: {  	s7 =	sshll.u32 s28, $0x1;
	[dreg:$0x2] =	wrdreg s5  }
0xab: {  	[dreg:$0x3] =	wrdreg s7  }
0xac: {  	[dreg:$0x4] =	wrdreg $0xC0  }
0xad: {  	_ =	task [dreg:s9], $0x5FFFF  }
0xae: {  	[dreg:$0x1] =	wrdreg $0xFFFFFFFF  }
0xaf: {  	[dreg:$0x0] =	wrdreg $0x60  }
0xb0: {  	[dreg:$0x2] =	wrdreg s2  }
0xb1: {  	[dreg:$0x3] =	wrdreg s18  }
0xb2: {  	[dreg:$0x4] =	wrdreg s4  }
0xb3: {  	[dreg:$0x5] =	wrdreg s24  }
0xb4: {  	[dreg:$0x6] =	wrdreg $0xC5800  }
0xb5: {  	[dreg:$0x7] =	wrdreg $0x9  }
0xb6: {  	_ =	task.clear_ibuf [dreg:s9], $0x8FFFF;
	_ =	strace $0x90000046  }
0xb7: {  	s29 =	simm.s32 $0x9;
	_ =	strace $0x80000048  }
0xb8: {  	_ =	swait.ge [sflag:s29], $0x1  }
0xb9: {  	[sflag:s29] =	ssyncadd.s32 $0xFFFFFFFF  }
0xba: {  	_ =	strace $0x90000048  }
0xbb: {  	_ =	sfence  }
0xbc: {  	s30 =	sld [smem:$0x0];
	_ =	sdelay $0x2  }
0xbd: {  	s31 =	sshll.u32 s1, $0xD;
	s1 =	sshrl.u32 s1, $0x2  }
0xbe: {  	s3 =	sand.u32 $0x4000, s31;
	s1 =	sadd.s32 s1, s30  }
0xbf: {  	s0 =	sor.u32 s3, s0;
	s1 =	sshll.u32 s1, $0x11  }
0xc0: {  	s0 =	sor.u32 s1, s0  }
0xc1: {  	s0 =	sadd.s32 $0x8F2B, s0  }
0xc2: {  	[sflag:s0] =	ssyncadd.remote.s32 $0x1  }
0xc3: {  	_ =	sfence.sel $0xFFFF  }
0xc4: {  	[dreg:$0x0] =	wrdreg $0xFFFFFFFF;
	(pc) =	sbr.abs _section_cstart, $3  }
0xc5: {  	[dreg:$0x1] =	wrdreg $0xFFFFFFFF  }
0xc6: {  	_ =	task.clear_ibuf [dreg:s9], $0x2FFFF;
	_ =	strace $0x9FFFFFFF  }
0xc7: {  	(tm) =	ssettm $0x7FFFFFFF  }
tec
execute0_lowered:
.L_overlay_start_1:
0x0: {  	(tag) =	ssettag $0x1  }
0x1: {  	s0 =	rddreg [dreg:$0x0]  }
0x2: {  	s1 =	rddreg [dreg:$0x1]  }
0x3: {  	s2 =	rddreg [dreg:$0x2]  }
0x4: {  	s3 =	rddreg [dreg:$0x3]  }
0x5: {  	s5 =	srdreg.scid;
	s11 =	stileid.u32  }
0x6: {  	s4 =	rddreg [dreg:$0x4];
	s16 =	simm.s32 $0x1;
	s17 =	simm.s32 $0x8400  }
0x7: {  	s18 =	simm.s32 $0xA;
	s22 =	simm.s32 $0x2;
	s28 =	simm.s32 $0xC500  }
0x8: {  	s29 =	simm.s32 $0x5;
	s6 =	sand.u32 $0x1, s5;
	s7 =	sshll.u32 s11, $0x1  }
0x9: {  	s5 =	simm.s32 $0x0;
	s9 =	smul.u32 $0x40200, s11;
	s7 =	sor.u32 s6, s7  }
0xa: {  	s30 =	simm.s32 $0x0;
	[smem:$0x7FF] =	sst s5;
	s10 =	sshll.u32 s7, $0x6  }
0xb: {  	s8 =	sshll.u32 s7, $0xD;
	s9 =	sshrl.u32 s9, $0x2;
	s20 =	sadd.s32 s1, s10  }
0xc: {  	_ =	strace $0x80000047;
	s10 =	sadd.s32 s9, s4;
	[dreg:$0x6] =	wrdreg s20  }
0xd: {  	s3 =	sadd.s32 s8, s3;
	s8 =	sadd.s32 $0x40, s20;
	[dreg:$0x7] =	wrdreg s10  }
0xe: {  	s21 =	smul.u32 $0x201, s11;
	s23 =	sadd.s32 $0x4000, s10;
	[dreg:$0x8] =	wrdreg s8  }
0xf: {  	s6 =	ssub.s32 $0x2, s6;
	s24 =	sadd.s32 $0x8000, s10;
	[dreg:$0x9] =	wrdreg s23  }
0x10: {  	s19 =	sshrl.u32 s6, $0x1;
	s25 =	sadd.s32 $0xC000, s10;
	[dreg:$0xa] =	wrdreg s24  }
.Ltmp0:
0x11: {  	v3 =	vimm.s32 $0x100;
	s26 =	sadd.s32 $0x10000, s10;
	[dreg:$0xb] =	wrdreg s25;
	(pc) =	sbr.rel .LBB2_1-.Ltmp0, $4  }
0x12: {  	s6 =	ssub.s32 s6, s19;
	s3 =	sadd.s32 $0x1800, s3;
	[dreg:$0xc] =	wrdreg s26  }
0x13: {  	p0 =	seq.s32 s7, $0x1F;
	s31 =	smax.u32 s6, $0x1;
	[dreg:$0xd] =	wrdreg s3  }
0x14: {  	s19 =	simm.s32 $0x80;
	[dreg:$0xe] =	wrdreg s31;
	s3 =	simm.s32 $0xB  }
0x15: {  	v1 =	vimm.f32 $0.0e+00;
	v2 =	vlaneseq.u32;
	v0 =	vmov s21;
	s24 =	simm.s32 $0x4400;
	s25 =	simm.s32 $0x4;
	s26 =	simm.s32 $0x3  }
.LBB2_20:
0x16: {  	s1 =	stileid.u32  }
0x17: {  	s10 =	rddreg [dreg:$0x7];
	s1 =	sshll.u32 s1, $0x6  }
0x18: {  	s6 =	rddreg [dreg:$0xd];
	s3 =	sshrl.u32 s10, $0x3;
	s1 =	sor.u32 $0x1C0B, s1  }
0x19: {  	[hbm:s6], [sflag:s1] =	dma.local [spmem:s3], $0x2000  }
0x1a: {  	s3 =	simm.s32 $0xB  }
0x1b: {  	_ =	swait.ge [sflag:s3], $0x2000  }
0x1c: {  	s30 =	sadd.s32 $0x1, s30;
	s31 =	rddreg [dreg:$0xe]  }
0x1d: {  	p1 =	sne.s32 s30, s31  }
.Ltmp1:
0x1e: {  	_ = 	snop;
	(pc) =	sbr.rel @!p1 .LBB2_21-.Ltmp1, $3  }
0x1f: {  	_ =	sdelay $0x1  }
0x20: {  	[sflag:s3] =	ssyncset.done $0x0  }
0x21: {  	[sflag:s3] =	ssyncadd.s32 $0xFFFFE000  }
.LBB2_1:
0x22: {  	s1 =	rddreg [dreg:$0x6]  }
0x23: {  	[tilespmem:s5], [sflag:$0xB] =	stream.linear.gather [hbm4b:s1+s5], $0x200, $0x38;
	[tilespmem:$0x1C600] =	vst v63  }
0x24: {  	_ =	swait.ge [sflag:s3], $0x200  }
0x25: {  	s1 =	simm.s32 @!p0 $0x0;
	[sflag:s3] =	ssyncset.done $0x0  }
0x26: {  	s6 =	rddreg [dreg:$0x8];
	[sflag:s3] =	ssyncadd.s32 $0xFFFFFE00;
	s3 =	simm.s32 @!p0 $0x200  }
0x27: {  	[tilespmem:s3], [sflag:$0xB] =	stream.linear.gather @!p0 [hbm4b:s6+s1], $0x10, $0x38;
	[tilespmem:$0x1C600] =	vst v63  }
0x28: {  	s1 =	simm.s32 @!p0 $0xB  }
0x29: {  	_ =	swait.ge @!p0 [sflag:s1], $0x10  }
0x2a: {  	[sflag:s1] =	ssyncset.done @!p0 $0x0  }
0x2b: {  	[sflag:s1] =	ssyncadd.s32 @!p0 $0xFFFFFFF0  }
0x2c: {  	v4 =	vld [tilespmem:$0x0];
	_ =	sdelay $0x4  }
0x2d: {  	(v2sf) =	vpush v4, $0x0  }
0x2e: {  	v4 =	vld [tilespmem:$0x200];
	_ =	sdelay $0x4  }
0x2f: {  	(v2sf) =	vpush v4, $0x0;
	_ =	sdelay $0x8  }
0x30: {  	s31 =	spop (v2sf)  }
0x31: {  	s13 =	sand.u32 $0x7, s31  }
0x32: {  	s14 =	sshra.s32 s31, $0x1F;
	p1 =	slt.s32 s31, $0x1;
	p2 =	sne.s32 s13, $0x0  }
0x33: {  	s15 =	sshrl.u32 s14, $0x1D;
	p1 =	por !p1, !p2  }
0x34: {  	s3 =	simm.s32 $0x1;
	s1 =	sadd.s32 s15, s31;
	p1 =	por !p1, !p1  }
0x35: {  	s20 =	sshrl.u32 s1, $0x3;
	s3 =	simm.s32 @!p1 $0x0  }
0x36: {  	s1 =	spop (v2sf);
	s3 =	ssub.s32 s20, s3  }
0x37: {  	s1 =	simm.s32 @p0 $0xC8000;
	s15 =	sshll.u32 s3, $0x3  }
0x38: {  	s3 =	ssub.s32 s1, s15  }
0x39: {  	s3 =	sadd.s32 $0x7F, s3  }
0x3a: {  	s21 =	sand.u32 $0x7F, s3  }
0x3b: {  	s7 =	sshra.s32 s3, $0x1F;
	p5 =	slt.s32 s3, $0x1;
	p6 =	sne.s32 s21, $0x0  }
0x3c: {  	s23 =	sshrl.u32 s7, $0x19;
	p1 =	por !p5, !p6  }
0x3d: {  	s6 =	simm.s32 $0x1;
	s3 =	sadd.s32 s23, s3;
	p1 =	por !p1, !p1  }
0x3e: {  	s3 =	sshra.s32 s3, $0x7;
	s6 =	simm.s32 @!p1 $0x0  }
0x3f: {  	s3 =	ssub.s32 s3, s6  }
0x40: {  	p1 =	slt.s32 s3, $0x1  }
0x41: {  	p2 =	slt.s32 @!p1 s15, $0xC7F80  }
0x42: {  	s6 =	smov.u32 s15;
	p2 =	por !p2, p1  }
0x43: {  	s6 =	simm.s32 @p2 $0xC7F80  }
0x44: {  	s7 =	simm.s32 @!p1 $0x0;
	p3 =	seq.s32 @!p1 s3, $0x1;
	s6 =	sshrl.u32 @!p1 s6, $0x3  }
0x45: {  	s8 =	simm.s32 @!p1 $0x280;
	p2 =	por !p3, p1;
	s6 =	sadd.s32 @!p1 s0, s6  }
0x46: {  	[tilespmem:s8], [sflag:$0x7] =	stream.linear.gather @!p1 [hbm4b:s6+s7], $0x80, $0x38;
	[tilespmem:$0x1C600] =	vst v63  }
0x47: {  	s6 =	simm.s32 @!p2 $0x7  }
0x48: {  	_ =	swait.ge @!p2 [sflag:s6], $0x80  }
0x49: {  	s7 =	simm.s32 @!p2 $0x280;
	[sflag:s6] =	ssyncset.done @!p2 $0x0  }
0x4a: {  	s8 =	simm.s32 @!p2 $0x400;
	[sflag:s6] =	ssyncadd.s32 @!p2 $0xFFFFFF80;
	s6 =	simm.s32 @!p2 $0x80  }
0x4b: {  	[tilespmem:s8], [sflag:$0x1] =	stream.indirect.gather @!p2 [hbm4b:s2+s6], $0x80, s7, s6, $0xb8;
	[tilespmem:$0x1C600] =	vst v63  }
0x4c: {  	p2 =	por p3, p1  }
0x4d: {  	s6 =	sadd.s32 @!p2 $0x80, s15  }
0x4e: {  	p4 =	slt.s32 @!p2 s6, $0xC7F80  }
0x4f: {  	p4 =	por @!p1 !p4, p3  }
0x50: {  	p4 =	por !p4, p1  }
0x51: {  	s6 =	simm.s32 @!p4 $0xC7F80;
	p4 =	slt.u32 @!p2 s3, $0x3  }
0x52: {  	s7 =	simm.s32 @!p2 $0x0;
	s6 =	sshrl.u32 @!p2 s6, $0x3;
	p5 =	por @!p1 p4, p3  }
0x53: {  	s8 =	simm.s32 @!p2 $0x300;
	s6 =	sadd.s32 @!p2 s0, s6;
	p5 =	por p5, p1  }
0x54: {  	[tilespmem:s8], [sflag:$0x8] =	stream.linear.gather @!p2 [hbm4b:s6+s7], $0x80, $0x38;
	[tilespmem:$0x1C600] =	vst v63  }
0x55: {  	s6 =	sadd.s32 @!p5 $0x100, s15  }
0x56: {  	p6 =	slt.s32 @!p5 s6, $0xC7F80  }
0x57: {  	p4 =	por @!p2 !p6, p4  }
0x58: {  	p3 =	por @!p1 !p4, p3  }
0x59: {  	p3 =	por !p3, p1  }
0x5a: {  	s6 =	simm.s32 @p3 $0xC7F80  }
0x5b: {  	s6 =	sshrl.u32 @!p5 s6, $0x3  }
0x5c: {  	s7 =	simm.s32 @!p5 $0x0;
	s9 =	simm.s32 @!p5 $0x380;
	s6 =	sadd.s32 @!p5 s0, s6  }
0x5d: {  	[tilespmem:s9], [sflag:$0x9] =	stream.linear.gather @!p5 [hbm4b:s6+s7], $0x80, $0x38;
	[tilespmem:$0x1C600] =	vst v63  }
0x5e: {  	s6 =	simm.s32 @!p2 $0x7  }
0x5f: {  	_ =	swait.ge @!p2 [sflag:s6], $0x80  }
0x60: {  	s7 =	simm.s32 @!p2 $0x280;
	[sflag:s6] =	ssyncset.done @!p2 $0x0  }
0x61: {  	s9 =	simm.s32 @!p2 $0x400;
	[sflag:s6] =	ssyncadd.s32 @!p2 $0xFFFFFF80;
	s6 =	simm.s32 @!p2 $0x80  }
0x62: {  	[tilespmem:s9], [sflag:$0x1] =	stream.indirect.gather @!p2 [hbm4b:s2+s6], $0x80, s7, s6, $0xb8;
	[tilespmem:$0x1C600] =	vst v63  }
0x63: {  	s7 =	simm.s32 @!p2 $0x8  }
0x64: {  	_ =	swait.ge @!p2 [sflag:s7], $0x80  }
0x65: {  	[sflag:s7] =	ssyncset.done @!p2 $0x0  }
0x66: {  	[sflag:s7] =	ssyncadd.s32 @!p2 $0xFFFFFF80;
	s7 =	simm.s32 @!p2 $0x4400  }
0x67: {  	[tilespmem:s7], [sflag:$0x2] =	stream.indirect.gather @!p2 [hbm4b:s2+s6], $0x80, s8, s6, $0xb8;
	[tilespmem:$0x1C600] =	vst v63  }
0x68: {  	s6 =	simm.s32 $0x0;
	s7 =	simm.s32 $0x200  }
.LBB2_2:
0x69: {  	p2 =	sne.s32 s7, $0xFE00;
	[tilespmem:s6+$0x8470] =	vst v1  }
0x6a: {  	[tilespmem:s6+$0x8400] =	vst v1  }
0x6b: {  	[tilespmem:s6+$0x8410] =	vst v1  }
.Ltmp2:
0x6c: {  	[tilespmem:s6+$0x8420] =	vst v1;
	(pc) =	sbr.rel @p2 .LBB2_2-.Ltmp2, $4  }
0x6d: {  	[tilespmem:s6+$0x8430] =	vst v1  }
0x6e: {  	[tilespmem:s6+$0x8440] =	vst v1  }
0x6f: {  	[tilespmem:s6+$0x8450] =	vst v1  }
0x70: {  	[tilespmem:s6+$0x8460] =	vst v1;
	s6 =	sshra.s32 s7, $0x2;
	s7 =	sadd.s32 $0x200, s7  }
0x71: {  	[tilespmem:s6+$0x8470] =	vst v1  }
0x72: {  	[tilespmem:s6+$0x8400] =	vst v1  }
0x73: {  	[tilespmem:s6+$0x8410] =	vst v1  }
0x74: {  	[tilespmem:s6+$0x8420] =	vst v1  }
0x75: {  	[tilespmem:s6+$0x8430] =	vst v1  }
0x76: {  	[tilespmem:s6+$0x8440] =	vst v1  }
0x77: {  	[tilespmem:s6+$0x8450] =	vst v1  }
0x78: {  	[tilespmem:s6+$0x8460] =	vst v1  }
0x79: {  	[spmem:s10] =	stream.linear.scatter [tilespmem:s17], [sflag:$0xA], $0x4000, $0x38;
	[tilespmem:$0x1C600] =	vst v63  }
0x7a: {  	s21 =	sadd.s32 $0x2, s3;
	_ =	swait.ge [sflag:s18], $0x4000  }
0x7b: {  	s7 =	smulhi.u32 $0x55555556, s21;
	s6 =	sshra.s32 s21, $0x1F;
	[sflag:s18] =	ssyncset.done $0x0  }
0x7c: {  	s6 =	smul.u32 $0x55555556, s6;
	s13 =	rddreg [dreg:$0x9];
	[sflag:s18] =	ssyncadd.s32 $0xFFFFC000  }
0x7d: {  	[spmem:s13] =	stream.linear.scatter [tilespmem:s17], [sflag:$0xA], $0x4000, $0x38;
	[tilespmem:$0x1C600] =	vst v63  }
0x7e: {  	s6 =	sadd.s32 s6, s7;
	_ =	swait.ge [sflag:s18], $0x4000  }
0x7f: {  	s7 =	sshrl.u32 s6, $0x1F;
	[sflag:s18] =	ssyncset.done $0x0  }
0x80: {  	s6 =	sadd.s32 s7, s6;
	s14 =	rddreg [dreg:$0xa];
	[sflag:s18] =	ssyncadd.s32 $0xFFFFC000  }
0x81: {  	[spmem:s14] =	stream.linear.scatter [tilespmem:s17], [sflag:$0xA], $0x4000, $0x38;
	[tilespmem:$0x1C600] =	vst v63  }
0x82: {  	s7 =	smul.u32 $0xFFFFFFFD, s6;
	_ =	swait.ge [sflag:s18], $0x4000  }
0x83: {  	s23 =	ssub.s32 $0xFFFFFFFE, s3;
	p2 =	slt.s32 s3, $0xFFFFFFFF;
	[sflag:s18] =	ssyncset.done $0x0  }
0x84: {  	p3 =	sne.s32 s7, s23;
	s20 =	rddreg [dreg:$0xb];
	[sflag:s18] =	ssyncadd.s32 $0xFFFFC000  }
0x85: {  	[spmem:s20] =	stream.linear.scatter [tilespmem:s17], [sflag:$0xA], $0x4000, $0x38;
	[tilespmem:$0x1C600] =	vst v63  }
0x86: {  	p2 =	por !p2, !p3;
	_ =	swait.ge [sflag:s18], $0x4000  }
0x87: {  	s7 =	simm.s32 $0x1;
	p2 =	por !p2, !p2;
	[sflag:s18] =	ssyncset.done $0x0  }
0x88: {  	s7 =	simm.s32 @!p2 $0x0;
	s8 =	rddreg [dreg:$0xc];
	[sflag:s18] =	ssyncadd.s32 $0xFFFFC000  }
0x89: {  	[spmem:s8] =	stream.linear.scatter [tilespmem:s17], [sflag:$0xA], $0x80, $0x38;
	[tilespmem:$0x1C600] =	vst v63  }
0x8a: {  	s8 =	ssub.s32 s6, s7  }
0x8b: {  	p2 =	slt.s32 s8, $0x1  }
.Ltmp3:
0x8c: {  	_ = 	snop;
	(pc) =	sbr.rel @p2 .LBB2_18-.Ltmp3, $4  }
0x8d: {  	_ = 	snop  }
0x8e: {  	_ =	swait.ge [sflag:s18], $0x80  }
0x8f: {  	[sflag:s18] =	ssyncset.done $0x0  }
0x90: {  	[sflag:s18] =	ssyncadd.s32 $0xFFFFFF80  }
.Ltmp4:
0x91: {  	(pc) =	sbr.rel .LBB2_5-.Ltmp4, $4  }
0x92: {  	_ = 	snop  }
0x93: {  	s9 =	sadd.s32 $0xFFFFFFFE, s3  }
0x94: {  	s10 =	sadd.s32 $0xFFFFFFFD, s3;
	s11 =	sadd.s32 $0xFFFFFFFC, s3;
	s12 =	sadd.s32 $0x80, s15  }
0x95: {  	v4 =	vmov s1;
	s13 =	sadd.s32 $0x100, s15;
	s14 =	simm.s32 $0x0;
	s6 =	smov.u32 s15  }
.LBB2_17:
0x96: {  	s14 =	sadd.s32 $0x1, s14  }
0x97: {  	p2 =	sne.s32 s14, s8  }
.Ltmp5:
0x98: {  	_ = 	snop;
	(pc) =	sbr.rel @!p2 .LBB2_18-.Ltmp5, $2  }
0x99: {  	_ =	sdelay $0x2  }
0x9a: {  	s6 =	sadd.s32 $0x180, s6;
	s12 =	sadd.s32 $0x180, s12;
	s13 =	sadd.s32 $0x180, s13  }
.LBB2_5:
0x9b: {  	s7 =	smul.u32 $0x3, s14;
	_ =	sdelay $0x1  }
0x9c: {  	p2 =	sge.s32 s7, s3  }
.Ltmp6:
0x9d: {  	_ = 	snop;
	(pc) =	sbr.rel @p2 .LBB2_9-.Ltmp6, $1  }
0x9e: {  	_ =	sdelay $0x3  }
0x9f: {  	s1 =	sadd.s32 $0x3, s7  }
0xa0: {  	p2 =	sge.u32 s1, s3  }
0xa1: {  	s1 =	sshll.u32 @!p2 s1, $0x7  }
0xa2: {  	s1 =	sadd.s32 @!p2 s15, s1  }
0xa3: {  	p3 =	slt.s32 @!p2 s1, $0xC7F80  }
0xa4: {  	_ =	swait.ge [sflag:s16], $0x4000;
	p3 =	por !p3, p2  }
0xa5: {  	[sflag:s16] =	ssyncset.done $0x0;
	s1 =	simm.s32 @p3 $0xC7F80  }
0xa6: {  	s23 =	smul.u32 $0x180, s14;
	[sflag:s16] =	ssyncadd.s32 $0xFFFFC000;
	s1 =	sshrl.u32 @!p2 s1, $0x3  }
0xa7: {  	s20 =	simm.s32 @!p2 $0x0;
	s21 =	simm.s32 @!p2 $0x280;
	s1 =	sadd.s32 @!p2 s0, s1  }
0xa8: {  	[tilespmem:s21], [sflag:$0x7] =	stream.linear.gather @!p2 [hbm4b:s1+s20], $0x80, $0x38;
	[tilespmem:$0x1C600] =	vst v63  }
0xa9: {  	s20 =	sadd.s32 s15, s23  }
0xaa: {  	s21 =	smov.u32 s31;
	p2 =	sgt.s32 s20, s31  }
0xab: {  	p3 =	slt.s32 s6, $0xC7F80;
	s1 =	smov.u32 s6;
	s21 =	smov.u32 @p2 s20  }
0xac: {  	s1 =	simm.s32 @!p3 $0xC7F80;
	s20 =	simm.s32 $0x0;
	v5 =	vmov s21  }
.LBB2_7:
0xad: {  	v6 =	vld.idx.msk [tilespmem:v3+s5+$0x0], $0xffff;
	_ =	sdelay $0x3  }
0xae: {  	v7 =	vadd.s32 s1, v2  }
0xaf: {  	vm0 =	vgt.s32 v6, v7  }
0xb0: {  	v6 =	vsel vm0, $0x0, v3  }
0xb1: {  	v8 =	vor.u32 $0x80, v6;
	_ =	sdelay $0x4  }
0xb2: {  	v9 =	vld.idx.msk [tilespmem:v8+s5+$0x0], $0xffff;
	_ =	sdelay $0x4  }
0xb3: {  	vm7 =	vgt.s32 v9, v7  }
0xb4: {  	v6 =	vsel vm7, v6, v8  }
0xb5: {  	v8 =	vor.u32 $0x40, v6;
	_ =	sdelay $0x4  }
0xb6: {  	v57 =	vld.idx.msk [tilespmem:v8+s5+$0x0], $0xffff;
	_ =	sdelay $0x4  }
0xb7: {  	vm8 =	vgt.s32 v57, v7  }
0xb8: {  	v6 =	vsel vm8, v6, v8  }
0xb9: {  	v8 =	vor.u32 $0x20, v6;
	_ =	sdelay $0x4  }
0xba: {  	v58 =	vld.idx.msk [tilespmem:v8+s5+$0x0], $0xffff;
	_ =	sdelay $0x4  }
0xbb: {  	vm9 =	vgt.s32 v58, v7  }
0xbc: {  	v6 =	vsel vm9, v6, v8  }
0xbd: {  	v8 =	vmin.u32 v6, $0x1EF  }
0xbe: {  	v8 =	vadd.s32 $0x10, v8;
	_ =	sdelay $0x4  }
0xbf: {  	v59 =	vld.idx.msk [tilespmem:v8+s5+$0x0], $0xffff;
	_ =	sdelay $0x4  }
0xc0: {  	vm10 =	vgt.s32 v59, v7  }
0xc1: {  	v6 =	vsel vm10, v6, v8  }
0xc2: {  	v8 =	vmin.u32 v6, $0x1F7  }
0xc3: {  	v8 =	vadd.s32 $0x8, v8;
	_ =	sdelay $0x4  }
0xc4: {  	v60 =	vld.idx.msk [tilespmem:v8+s5+$0x0], $0xffff;
	_ =	sdelay $0x4  }
0xc5: {  	vm11 =	vgt.s32 v60, v7  }
0xc6: {  	v6 =	vsel vm11, v6, v8  }
0xc7: {  	v8 =	vmin.u32 v6, $0x1FB  }
0xc8: {  	v8 =	vadd.s32 $0x4, v8;
	_ =	sdelay $0x4  }
0xc9: {  	v61 =	vld.idx.msk [tilespmem:v8+s5+$0x0], $0xffff;
	_ =	sdelay $0x4  }
0xca: {  	vm12 =	vgt.s32 v61, v7  }
0xcb: {  	v6 =	vsel vm12, v6, v8  }
0xcc: {  	v8 =	vmin.u32 v6, $0x1FD  }
0xcd: {  	v8 =	vadd.s32 $0x2, v8;
	_ =	sdelay $0x4  }
0xce: {  	v62 =	vld.idx.msk [tilespmem:v8+s5+$0x0], $0xffff;
	_ =	sdelay $0x4  }
0xcf: {  	vm13 =	vgt.s32 v62, v7  }
0xd0: {  	v6 =	vsel vm13, v6, v8  }
0xd1: {  	v8 =	vmin.u32 v6, $0x1FE  }
0xd2: {  	v8 =	vadd.s32 $0x1, v8;
	_ =	sdelay $0x4  }
0xd3: {  	v63 =	vld.idx.msk [tilespmem:v8+s5+$0x0], $0xffff;
	_ =	sdelay $0x3  }
0xd4: {  	p2 =	sne.s32 s20, $0x1C0  }
.Ltmp7:
0xd5: {  	vm1 =	vge.s32 v7, v5;
	vm2 =	vlt.s32 v7, v4;
	vm14 =	vgt.s32 v63, v7;
	(pc) =	sbr.rel @p2 .LBB2_7-.Ltmp7, $4  }
0xd6: {  	vm15 =	vmand vm1, vm2;
	v6 =	vsel vm14, v6, v8  }
0xd7: {  	v6 =	vnsel vm15, $0x200, v6  }
0xd8: {  	s21 =	sshra.s32 s20, $0x2;
	v6 =	vadd.s32 v0, v6  }
0xd9: {  	s1 =	sadd.s32 $0x10, s1;
	s20 =	sadd.s32 $0x40, s20;
	[tilespmem:s21+$0xC400] =	vst v6  }
0xda: {  	s1 =	simm.s32 $0xC400;
	s20 =	simm.s32 $0x400;
	p2 =	seq.s32 s14, $0x0  }
0xdb: {  	[spmem:s4] =	stream.indirect.scatter.add.f32 [tilespmem:s20], [sflag:$0x4], $0x80, s1, s19, $0xb8;
	[tilespmem:$0x1C600] =	vst v63  }
0xdc: {  	s1 =	simm.s32 @!p2 $0x6  }
0xdd: {  	_ =	swait.ge @!p2 [sflag:s1], $0x4000  }
0xde: {  	p3 =	sge.s32 s7, s9;
	[sflag:s1] =	ssyncset.done @!p2 $0x0  }
0xdf: {  	[sflag:s1] =	ssyncadd.s32 @!p2 $0xFFFFC000;
	s1 =	simm.s32 @!p3 $0x9  }
0xe0: {  	_ =	swait.ge @!p3 [sflag:s1], $0x80  }
0xe1: {  	s20 =	simm.s32 @!p3 $0x380;
	[sflag:s1] =	ssyncset.done @!p3 $0x0  }
0xe2: {  	s21 =	simm.s32 @!p3 $0x8400;
	[sflag:s1] =	ssyncadd.s32 @!p3 $0xFFFFFF80;
	s1 =	simm.s32 @!p3 $0x80  }
0xe3: {  	[tilespmem:s21], [sflag:$0x3] =	stream.indirect.gather @!p3 [hbm4b:s2+s1], $0x80, s20, s1, $0xb8;
	[tilespmem:$0x1C600] =	vst v63  }
.LBB2_9:
0xe4: {  	s1 =	sadd.s32 $0x1, s7  }
0xe5: {  	p2 =	sge.s32 s1, s3  }
.Ltmp8:
0xe6: {  	_ = 	snop;
	(pc) =	sbr.rel @p2 .LBB2_13-.Ltmp8, $1  }
0xe7: {  	_ =	sdelay $0x3  }
0xe8: {  	s20 =	sadd.s32 $0x4, s7  }
0xe9: {  	p2 =	sge.s32 s20, s3  }
0xea: {  	s20 =	sshll.u32 @!p2 s20, $0x7  }
0xeb: {  	s20 =	sadd.s32 @!p2 s15, s20  }
0xec: {  	p3 =	slt.s32 @!p2 s20, $0xC7F80  }
0xed: {  	_ =	swait.ge [sflag:s22], $0x4000;
	p3 =	por !p3, p2  }
0xee: {  	[sflag:s22] =	ssyncset.done $0x0;
	s20 =	simm.s32 @p3 $0xC7F80  }
0xef: {  	s1 =	sshll.u32 s1, $0x7;
	[sflag:s22] =	ssyncadd.s32 $0xFFFFC000;
	s20 =	sshrl.u32 @!p2 s20, $0x3  }
0xf0: {  	s21 =	simm.s32 @!p2 $0x0;
	s23 =	simm.s32 @!p2 $0x300;
	s20 =	sadd.s32 @!p2 s0, s20  }
0xf1: {  	[tilespmem:s23], [sflag:$0x8] =	stream.linear.gather @!p2 [hbm4b:s20+s21], $0x80, $0x38;
	[tilespmem:$0x1C600] =	vst v63  }
0xf2: {  	s20 =	sadd.s32 s15, s1  }
0xf3: {  	s21 =	smov.u32 s31;
	p2 =	sgt.s32 s20, s31  }
0xf4: {  	p3 =	slt.s32 s12, $0xC7F80;
	s1 =	smov.u32 s12;
	s21 =	smov.u32 @p2 s20  }
0xf5: {  	s1 =	simm.s32 @!p3 $0xC7F80;
	s20 =	simm.s32 $0x0;
	v5 =	vmov s21  }
.LBB2_11:
0xf6: {  	v6 =	vld.idx.msk [tilespmem:v3+s5+$0x0], $0xffff;
	_ =	sdelay $0x3  }
0xf7: {  	v7 =	vadd.s32 s1, v2  }
0xf8: {  	vm0 =	vgt.s32 v6, v7  }
0xf9: {  	v6 =	vsel vm0, $0x0, v3  }
0xfa: {  	v8 =	vor.u32 $0x80, v6;
	_ =	sdelay $0x4  }
0xfb: {  	v9 =	vld.idx.msk [tilespmem:v8+s5+$0x0], $0xffff;
	_ =	sdelay $0x4  }
0xfc: {  	vm7 =	vgt.s32 v9, v7  }
0xfd: {  	v6 =	vsel vm7, v6, v8  }
0xfe: {  	v8 =	vor.u32 $0x40, v6;
	_ =	sdelay $0x4  }
0xff: {  	v57 =	vld.idx.msk [tilespmem:v8+s5+$0x0], $0xffff;
	_ =	sdelay $0x4  }
0x100: {  	vm8 =	vgt.s32 v57, v7  }
0x101: {  	v6 =	vsel vm8, v6, v8  }
0x102: {  	v8 =	vor.u32 $0x20, v6;
	_ =	sdelay $0x4  }
0x103: {  	v58 =	vld.idx.msk [tilespmem:v8+s5+$0x0], $0xffff;
	_ =	sdelay $0x4  }
0x104: {  	vm9 =	vgt.s32 v58, v7  }
0x105: {  	v6 =	vsel vm9, v6, v8  }
0x106: {  	v8 =	vmin.u32 v6, $0x1EF  }
0x107: {  	v8 =	vadd.s32 $0x10, v8;
	_ =	sdelay $0x4  }
0x108: {  	v59 =	vld.idx.msk [tilespmem:v8+s5+$0x0], $0xffff;
	_ =	sdelay $0x4  }
0x109: {  	vm10 =	vgt.s32 v59, v7  }
0x10a: {  	v6 =	vsel vm10, v6, v8  }
0x10b: {  	v8 =	vmin.u32 v6, $0x1F7  }
0x10c: {  	v8 =	vadd.s32 $0x8, v8;
	_ =	sdelay $0x4  }
0x10d: {  	v60 =	vld.idx.msk [tilespmem:v8+s5+$0x0], $0xffff;
	_ =	sdelay $0x4  }
0x10e: {  	vm11 =	vgt.s32 v60, v7  }
0x10f: {  	v6 =	vsel vm11, v6, v8  }
0x110: {  	v8 =	vmin.u32 v6, $0x1FB  }
0x111: {  	v8 =	vadd.s32 $0x4, v8;
	_ =	sdelay $0x4  }
0x112: {  	v61 =	vld.idx.msk [tilespmem:v8+s5+$0x0], $0xffff;
	_ =	sdelay $0x4  }
0x113: {  	vm12 =	vgt.s32 v61, v7  }
0x114: {  	v6 =	vsel vm12, v6, v8  }
0x115: {  	v8 =	vmin.u32 v6, $0x1FD  }
0x116: {  	v8 =	vadd.s32 $0x2, v8;
	_ =	sdelay $0x4  }
0x117: {  	v62 =	vld.idx.msk [tilespmem:v8+s5+$0x0], $0xffff;
	_ =	sdelay $0x4  }
0x118: {  	vm13 =	vgt.s32 v62, v7  }
0x119: {  	v6 =	vsel vm13, v6, v8  }
0x11a: {  	v8 =	vmin.u32 v6, $0x1FE  }
0x11b: {  	v8 =	vadd.s32 $0x1, v8;
	_ =	sdelay $0x4  }
0x11c: {  	v63 =	vld.idx.msk [tilespmem:v8+s5+$0x0], $0xffff;
	_ =	sdelay $0x3  }
0x11d: {  	p2 =	sne.s32 s20, $0x1C0  }
.Ltmp9:
0x11e: {  	vm1 =	vge.s32 v7, v5;
	vm2 =	vlt.s32 v7, v4;
	vm14 =	vgt.s32 v63, v7;
	(pc) =	sbr.rel @p2 .LBB2_11-.Ltmp9, $4  }
0x11f: {  	vm15 =	vmand vm1, vm2;
	v6 =	vsel vm14, v6, v8  }
0x120: {  	v6 =	vnsel vm15, $0x200, v6  }
0x121: {  	s21 =	sshra.s32 s20, $0x2;
	v6 =	vadd.s32 v0, v6  }
0x122: {  	s1 =	sadd.s32 $0x10, s1;
	s20 =	sadd.s32 $0x40, s20;
	[tilespmem:s21+$0xC480] =	vst v6  }
0x123: {  	s1 =	simm.s32 $0xC480  }
0x124: {  	[spmem:s4] =	stream.indirect.scatter.add.f32 [tilespmem:s24], [sflag:$0x5], $0x80, s1, s19, $0xb8;
	[tilespmem:$0x1C600] =	vst v63  }
0x125: {  	_ =	swait.ge [sflag:s25], $0x4000  }
0x126: {  	p2 =	sge.s32 s7, s10;
	[sflag:s25] =	ssyncset.done $0x0  }
0x127: {  	s1 =	simm.s32 @!p2 $0x7;
	[sflag:s25] =	ssyncadd.s32 $0xFFFFC000  }
0x128: {  	_ =	swait.ge @!p2 [sflag:s1], $0x80  }
0x129: {  	s20 =	simm.s32 @!p2 $0x280;
	[sflag:s1] =	ssyncset.done @!p2 $0x0  }
0x12a: {  	s21 =	simm.s32 @!p2 $0x400;
	[sflag:s1] =	ssyncadd.s32 @!p2 $0xFFFFFF80;
	s1 =	simm.s32 @!p2 $0x80  }
0x12b: {  	[tilespmem:s21], [sflag:$0x1] =	stream.indirect.gather @!p2 [hbm4b:s2+s1], $0x80, s20, s1, $0xb8;
	[tilespmem:$0x1C600] =	vst v63  }
.LBB2_13:
0x12c: {  	s1 =	sadd.s32 $0x2, s7  }
0x12d: {  	p2 =	sge.s32 s1, s3  }
.Ltmp10:
0x12e: {  	_ = 	snop;
	(pc) =	sbr.rel @p2 .LBB2_17-.Ltmp10, $1  }
0x12f: {  	_ =	sdelay $0x3  }
0x130: {  	s20 =	sadd.s32 $0x5, s7  }
0x131: {  	p2 =	sge.s32 s20, s3  }
0x132: {  	s20 =	sshll.u32 @!p2 s20, $0x7  }
0x133: {  	s20 =	sadd.s32 @!p2 s15, s20  }
0x134: {  	p3 =	slt.s32 @!p2 s20, $0xC7F80  }
0x135: {  	_ =	swait.ge [sflag:s26], $0x4000;
	p3 =	por !p3, p2  }
0x136: {  	[sflag:s26] =	ssyncset.done $0x0;
	s20 =	simm.s32 @p3 $0xC7F80  }
0x137: {  	s1 =	sshll.u32 s1, $0x7;
	[sflag:s26] =	ssyncadd.s32 $0xFFFFC000;
	s20 =	sshrl.u32 @!p2 s20, $0x3  }
0x138: {  	s21 =	simm.s32 @!p2 $0x0;
	s23 =	simm.s32 @!p2 $0x380;
	s20 =	sadd.s32 @!p2 s0, s20  }
0x139: {  	[tilespmem:s23], [sflag:$0x9] =	stream.linear.gather @!p2 [hbm4b:s20+s21], $0x80, $0x38;
	[tilespmem:$0x1C600] =	vst v63  }
0x13a: {  	s20 =	sadd.s32 s15, s1  }
0x13b: {  	s21 =	smov.u32 s31;
	p2 =	sgt.s32 s20, s31  }
0x13c: {  	p3 =	slt.s32 s13, $0xC7F80;
	s1 =	smov.u32 s13;
	s21 =	smov.u32 @p2 s20  }
0x13d: {  	s1 =	simm.s32 @!p3 $0xC7F80;
	s20 =	simm.s32 $0x0;
	v5 =	vmov s21  }
.LBB2_15:
0x13e: {  	v6 =	vld.idx.msk [tilespmem:v3+s5+$0x0], $0xffff;
	_ =	sdelay $0x3  }
0x13f: {  	v7 =	vadd.s32 s1, v2  }
0x140: {  	vm0 =	vgt.s32 v6, v7  }
0x141: {  	v6 =	vsel vm0, $0x0, v3  }
0x142: {  	v8 =	vor.u32 $0x80, v6;
	_ =	sdelay $0x4  }
0x143: {  	v9 =	vld.idx.msk [tilespmem:v8+s5+$0x0], $0xffff;
	_ =	sdelay $0x4  }
0x144: {  	vm7 =	vgt.s32 v9, v7  }
0x145: {  	v6 =	vsel vm7, v6, v8  }
0x146: {  	v8 =	vor.u32 $0x40, v6;
	_ =	sdelay $0x4  }
0x147: {  	v57 =	vld.idx.msk [tilespmem:v8+s5+$0x0], $0xffff;
	_ =	sdelay $0x4  }
0x148: {  	vm8 =	vgt.s32 v57, v7  }
0x149: {  	v6 =	vsel vm8, v6, v8  }
0x14a: {  	v8 =	vor.u32 $0x20, v6;
	_ =	sdelay $0x4  }
0x14b: {  	v58 =	vld.idx.msk [tilespmem:v8+s5+$0x0], $0xffff;
	_ =	sdelay $0x4  }
0x14c: {  	vm9 =	vgt.s32 v58, v7  }
0x14d: {  	v6 =	vsel vm9, v6, v8  }
0x14e: {  	v8 =	vmin.u32 v6, $0x1EF  }
0x14f: {  	v8 =	vadd.s32 $0x10, v8;
	_ =	sdelay $0x4  }
0x150: {  	v59 =	vld.idx.msk [tilespmem:v8+s5+$0x0], $0xffff;
	_ =	sdelay $0x4  }
0x151: {  	vm10 =	vgt.s32 v59, v7  }
0x152: {  	v6 =	vsel vm10, v6, v8  }
0x153: {  	v8 =	vmin.u32 v6, $0x1F7  }
0x154: {  	v8 =	vadd.s32 $0x8, v8;
	_ =	sdelay $0x4  }
0x155: {  	v60 =	vld.idx.msk [tilespmem:v8+s5+$0x0], $0xffff;
	_ =	sdelay $0x4  }
0x156: {  	vm11 =	vgt.s32 v60, v7  }
0x157: {  	v6 =	vsel vm11, v6, v8  }
0x158: {  	v8 =	vmin.u32 v6, $0x1FB  }
0x159: {  	v8 =	vadd.s32 $0x4, v8;
	_ =	sdelay $0x4  }
0x15a: {  	v61 =	vld.idx.msk [tilespmem:v8+s5+$0x0], $0xffff;
	_ =	sdelay $0x4  }
0x15b: {  	vm12 =	vgt.s32 v61, v7  }
0x15c: {  	v6 =	vsel vm12, v6, v8  }
0x15d: {  	v8 =	vmin.u32 v6, $0x1FD  }
0x15e: {  	v8 =	vadd.s32 $0x2, v8;
	_ =	sdelay $0x4  }
0x15f: {  	v62 =	vld.idx.msk [tilespmem:v8+s5+$0x0], $0xffff;
	_ =	sdelay $0x4  }
0x160: {  	vm13 =	vgt.s32 v62, v7  }
0x161: {  	v6 =	vsel vm13, v6, v8  }
0x162: {  	v8 =	vmin.u32 v6, $0x1FE  }
0x163: {  	v8 =	vadd.s32 $0x1, v8;
	_ =	sdelay $0x4  }
0x164: {  	v63 =	vld.idx.msk [tilespmem:v8+s5+$0x0], $0xffff;
	_ =	sdelay $0x3  }
0x165: {  	p2 =	sne.s32 s20, $0x1C0  }
.Ltmp11:
0x166: {  	vm1 =	vge.s32 v7, v5;
	vm2 =	vlt.s32 v7, v4;
	vm14 =	vgt.s32 v63, v7;
	(pc) =	sbr.rel @p2 .LBB2_15-.Ltmp11, $4  }
0x167: {  	vm15 =	vmand vm1, vm2;
	v6 =	vsel vm14, v6, v8  }
0x168: {  	v6 =	vnsel vm15, $0x200, v6  }
0x169: {  	s21 =	sshra.s32 s20, $0x2;
	v6 =	vadd.s32 v0, v6  }
0x16a: {  	s1 =	sadd.s32 $0x10, s1;
	s20 =	sadd.s32 $0x40, s20;
	[tilespmem:s21+$0xC500] =	vst v6  }
0x16b: {  	[spmem:s4] =	stream.indirect.scatter.add.f32 [tilespmem:s17], [sflag:$0x6], $0x80, s28, s19, $0xb8;
	[tilespmem:$0x1C600] =	vst v63  }
0x16c: {  	_ =	swait.ge [sflag:s29], $0x4000  }
0x16d: {  	p2 =	sge.s32 s7, s11;
	[sflag:s29] =	ssyncset.done $0x0  }
.Ltmp12:
0x16e: {  	s1 =	simm.s32 @!p2 $0x8;
	[sflag:s29] =	ssyncadd.s32 $0xFFFFC000;
	(pc) =	sbr.rel .LBB2_17-.Ltmp12, $4  }
0x16f: {  	_ =	swait.ge @!p2 [sflag:s1], $0x80  }
0x170: {  	s7 =	simm.s32 @!p2 $0x300;
	[sflag:s1] =	ssyncset.done @!p2 $0x0  }
0x171: {  	s20 =	simm.s32 @!p2 $0x4400;
	[sflag:s1] =	ssyncadd.s32 @!p2 $0xFFFFFF80;
	s1 =	simm.s32 @!p2 $0x80  }
0x172: {  	[tilespmem:s20], [sflag:$0x2] =	stream.indirect.gather @!p2 [hbm4b:s2+s1], $0x80, s7, s1, $0xb8;
	[tilespmem:$0x1C600] =	vst v63  }
.LBB2_18:
0x173: {  	s1 =	sadd.s32 $0xFFFFFFFF, s3  }
0x174: {  	s6 =	smulhi.u32 $0x55555556, s1;
	s7 =	sshra.s32 s1, $0x1F  }
0x175: {  	s7 =	smul.u32 $0x55555556, s7;
	_ =	sdelay $0x1  }
0x176: {  	s6 =	sadd.s32 s7, s6  }
0x177: {  	s7 =	sshrl.u32 s6, $0x1F  }
0x178: {  	s6 =	sadd.s32 s7, s6  }
0x179: {  	s6 =	smul.u32 $0x3, s6;
	_ =	sdelay $0x1  }
0x17a: {  	s1 =	ssub.s32 s1, s6  }
0x17b: {  	p2 =	slt.s32 s1, $0x0;
	s6 =	sadd.s32 $0x3, s1  }
0x17c: {  	s1 =	smov.u32 @p2 s6  }
0x17d: {  	p2 =	seq.s32 @!p1 s1, $0x0  }
0x17e: {  	p1 =	por p1, !p2  }
0x17f: {  	p2 =	slt.s32 @p1 s3, $0x1  }
0x180: {  	p3 =	por p2, !p1  }
0x181: {  	p3 =	seq.s32 @!p3 s1, $0x1  }
0x182: {  	p2 =	por @p1 p2, !p3  }
0x183: {  	p2 =	por !p1, !p2  }
0x184: {  	p3 =	slt.s32 @!p2 s3, $0x1  }
0x185: {  	p4 =	por p3, p2  }
0x186: {  	p4 =	sne.s32 @!p4 s1, $0x2  }
0x187: {  	p3 =	por @!p2 p3, p4  }
0x188: {  	p3 =	por p2, !p3  }
.Ltmp13:
0x189: {  	_ = 	snop;
	(pc) =	sbr.rel @!p3 .LBB2_20-.Ltmp13, $1  }
0x18a: {  	_ =	sdelay $0x3  }
0x18b: {  	s1 =	simm.s32 $0x4  }
.Ltmp14:
0x18c: {  	s1 =	simm.s32 @p1 $0x5;
	(pc) =	sbr.rel .LBB2_20-.Ltmp14, $4  }
0x18d: {  	s1 =	simm.s32 @!p2 $0x6  }
0x18e: {  	_ =	swait.ge [sflag:s1], $0x4000  }
0x18f: {  	[sflag:s1] =	ssyncset.done $0x0  }
0x190: {  	[sflag:s1] =	ssyncadd.s32 $0xFFFFC000  }
.LBB2_21:
0x191: {  	_ =	sfence.sel $0x180000  }
0x192: {  	[bflag:$0x0] =	sbarrier.arrive $0xFFFF  }
0x193: {  	_ =	strace $0x90000047  }
0x194: {  	s0 =	stileid.u32;
	[bflag:$0x2] =	sbarrier.arrive $0xFFFF  }
0x195: {  	p0 =	sne.s32 s0, $0x0;
	s0 =	rddreg [dreg:$0x5]  }
0x196: {  	s0 =	sadd.s32 @!p0 $0x100000, s0  }
0x197: {  	[sflag:s0] =	ssyncadd.tile.s32 @!p0 $0x1;
	_ =	shalt  }
.Lfunc_end2:
_tile_overlayer_lowered:
.L_overlay_start_2:
0x198: {  	(tag) =	ssettag $0x2  }
0x199: {  	s0 =	rddreg [dreg:$0x0];
	s2 =	stileid.u32  }
0x19a: {  	s1 =	rddreg [dreg:$0x1];
	p0 =	sne.s32 s2, $0x0  }
0x19b: {  	s3 =	rddreg [dreg:$0x2];
	[bflag:$0x3] =	sbarrier.arrive $0xFFFF;
	s2 =	simm.s32 @!p0 $0x1C0B  }
0x19c: {  	[timem:s3], [sflag:s2] =	dma.local @!p0 [hbm:s0], s1  }
0x19d: {  	s0 =	simm.s32 @!p0 $0xB  }
0x19e: {  	_ =	swait.ge @!p0 [sflag:s0], s1  }
0x19f: {  	s1 =	ssub.s32 @!p0 $0x0, s1;
	[sflag:s0] =	ssyncset.done @!p0 $0x0  }
0x1a0: {  	[sflag:s0] =	ssyncadd.s32 @!p0 s1  }
0x1a1: {  	[bflag:$0x3] =	sbarrier.arrive $0xFFFF  }
0x1a2: {  	_ =	shalt  }

</sc_bundles>
